<compile_context>
chip_gen: v7x
topology: tpu7x:2x2x1
jax: 0.10.2.dev20260603
libtpu: 0.0.44.dev20260713+nightly
codegen_flags: <defaults>
</compile_context>

<pallas_src>
import functools

import jax
import jax.numpy as jnp
from jax import lax
from jax.experimental import pallas as pl
from jax.experimental.pallas import tpu as pltpu
from jax.experimental.pallas import tpu_sc as plsc

N_NODES = 10000
N_EDGES = 320000
D_FEAT = 128
L = 16
NPAD = 10240
NW = 32
EPW = N_EDGES // NW
CHUNK = 128
NCHUNK = EPW // CHUNK
TAIL = EPW - NCHUNK * CHUNK
ROWS_PER_TILE = NPAD // 16
ZROWS = 128


def _mm_body(x_ref, w_ref, o_ref):
    o_ref[...] = jnp.dot(x_ref[...], w_ref[...],
                         preferred_element_type=jnp.float32).astype(jnp.bfloat16)


def _node_matmul(features, w1p):
    return pl.pallas_call(
        _mm_body,
        grid=(10,),
        in_specs=[
            pl.BlockSpec((N_NODES // 10, D_FEAT), lambda i: (i, 0)),
            pl.BlockSpec((D_FEAT, L), lambda i: (0, 0)),
        ],
        out_specs=pl.BlockSpec((N_NODES // 10, L), lambda i: (i, 0)),
        out_shape=jax.ShapeDtypeStruct((N_NODES, L), jnp.bfloat16),
    )(features, w1p)


def _edge_body(g_hbm, src_hbm, dst_hbm, h1_out, cnt_out,
               src_all, dst_all, rows0, rows1, rows2, rows3, rows4, rows5,
               rowst, zbuf, cnt_priv, h1_sh,
               gsem0, gsem1, gsem2, gsem3, gsem4, gsem5,
               ssem0, ssem1, ssem2, ssem3, ssem4, ssem5):
    c = lax.axis_index("c")
    s = lax.axis_index("s")
    rows_v = (rows0, rows1, rows2, rows3, rows4, rows5)
    gsem = (gsem0, gsem1, gsem2, gsem3, gsem4, gsem5)
    ssem = (ssem0, ssem1, ssem2, ssem3, ssem4, ssem5)

    def _fill_c(i, carry):
        cnt_priv[pl.ds(i * L, L)] = jnp.zeros((L,), jnp.float32)
        return carry
    lax.fori_loop(0, NPAD // L, _fill_c, 0)

    def _fill_z(i, carry):
        zbuf[pl.ds(2 * i, 2), :] = jnp.zeros((2, L), jnp.bfloat16)
        return carry
    lax.fori_loop(0, ZROWS // 2, _fill_z, 0)
    row0 = s * ROWS_PER_TILE
    for j in range(ROWS_PER_TILE // ZROWS):
        pltpu.sync_copy(zbuf, h1_sh.at[pl.ds(row0 + j * ZROWS, ZROWS)])
    plsc.subcore_barrier()

    wid = s * 2 + c
    base = wid * EPW
    pltpu.sync_copy(src_hbm.at[pl.ds(base, EPW)], src_all)
    pltpu.sync_copy(dst_hbm.at[pl.ds(base, EPW)], dst_all)

    def _src_idx(k, n=CHUNK):
        return src_all.at[pl.ds(k * CHUNK, n)]

    def _dst_idx(k, n=CHUNK):
        return dst_all.at[pl.ds(k * CHUNK, n)]

    def _fire_gather(k, slot):
        pltpu.async_copy(g_hbm.at[_src_idx(k)], rows_v[slot], gsem[slot])

    def _wait_gather(k, slot):
        pltpu.make_async_copy(g_hbm.at[_src_idx(k)], rows_v[slot],
                              gsem[slot]).wait()

    def _fire_scatter(k, slot):
        pltpu.async_copy(rows_v[slot], h1_sh.at[_dst_idx(k)], ssem[slot],
                         add=True)

    def _wait_scatter(k, slot):
        pltpu.make_async_copy(rows_v[slot], h1_sh.at[_dst_idx(k)],
                              ssem[slot]).wait()

    iota16 = lax.iota(jnp.int32, L)
    ones16 = jnp.ones((L,), jnp.float32)

    def _histogram(k):
        for j in range(CHUNK // L):
            pos = iota16 + (k * CHUNK + j * L)
            ids = plsc.load_gather(src_all, [pos])
            plsc.addupdate_scatter(cnt_priv, [ids], ones16)

    _fire_gather(0, 0)
    _fire_gather(1, 1)
    _fire_gather(2, 2)

    def _step(k, slot):
        _wait_gather(k, slot)
        _histogram(k)
        _fire_scatter(k, slot)
        nslot = (slot + 3) % 6

        @pl.when(k >= 3)
        def _():
            _wait_scatter(k - 3, nslot)

        @pl.when(k + 3 < NCHUNK)
        def _():
            _fire_gather(k + 3, nslot)

    def _sextet(q, carry):
        for r in range(6):
            _step(6 * q + r, r)
        return carry
    lax.fori_loop(0, NCHUNK // 6, _sextet, 0)

    _wait_scatter(NCHUNK - 3, (NCHUNK - 3) % 6)
    _wait_scatter(NCHUNK - 2, (NCHUNK - 2) % 6)
    _wait_scatter(NCHUNK - 1, (NCHUNK - 1) % 6)

    pltpu.async_copy(g_hbm.at[_src_idx(NCHUNK, TAIL)], rowst, gsem0).wait()
    for j in range(TAIL // L):
        pos = iota16 + (NCHUNK * CHUNK + j * L)
        ids = plsc.load_gather(src_all, [pos])
        plsc.addupdate_scatter(cnt_priv, [ids], ones16)
    pltpu.sync_copy(rowst, h1_sh.at[_dst_idx(NCHUNK, TAIL)], add=True)

    plsc.subcore_barrier()

    out_row = c * NPAD + row0
    pltpu.sync_copy(h1_sh.at[pl.ds(row0, ROWS_PER_TILE)],
                    h1_out.at[pl.ds(out_row, ROWS_PER_TILE)])
    pltpu.sync_copy(cnt_priv, cnt_out.at[wid])


def _edge_pass(g, src, dst):
    mesh = plsc.VectorSubcoreMesh(core_axis_name="c", subcore_axis_name="s",
                                  num_cores=2, num_subcores=16)
    fn = functools.partial(
        pl.kernel,
        mesh=mesh,
        compiler_params=pltpu.CompilerParams(use_tc_tiling_on_sc=False,
                                             needs_layout_passes=False),
        out_type=[
            jax.ShapeDtypeStruct((2 * NPAD, L), jnp.bfloat16),
            jax.ShapeDtypeStruct((NW, NPAD), jnp.float32),
        ],
        scratch_types=[
            pltpu.VMEM((EPW,), jnp.int32),
            pltpu.VMEM((EPW,), jnp.int32),
            pltpu.VMEM((CHUNK, L), jnp.bfloat16),
            pltpu.VMEM((CHUNK, L), jnp.bfloat16),
            pltpu.VMEM((CHUNK, L), jnp.bfloat16),
            pltpu.VMEM((CHUNK, L), jnp.bfloat16),
            pltpu.VMEM((CHUNK, L), jnp.bfloat16),
            pltpu.VMEM((CHUNK, L), jnp.bfloat16),
            pltpu.VMEM((TAIL, L), jnp.bfloat16),
            pltpu.VMEM((ZROWS, L), jnp.bfloat16),
            pltpu.VMEM((NPAD,), jnp.float32),
            pltpu.VMEM_SHARED((NPAD, L), jnp.bfloat16),
            pltpu.SemaphoreType.DMA,
            pltpu.SemaphoreType.DMA,
            pltpu.SemaphoreType.DMA,
            pltpu.SemaphoreType.DMA,
            pltpu.SemaphoreType.DMA,
            pltpu.SemaphoreType.DMA,
            pltpu.SemaphoreType.DMA,
            pltpu.SemaphoreType.DMA,
            pltpu.SemaphoreType.DMA,
            pltpu.SemaphoreType.DMA,
            pltpu.SemaphoreType.DMA,
            pltpu.SemaphoreType.DMA,
        ],
    )(_edge_body)
    return fn(g, src, dst)


def _final_body(h_ref, c_ref, w2_ref, w3_ref, o_ref):
    h = (h_ref[0:NPAD, :].astype(jnp.float32)
         + h_ref[NPAD:2 * NPAD, :].astype(jnp.float32))
    cnt_row = jnp.sum(c_ref[...], axis=0, keepdims=True)
    z = jnp.maximum(h, 0.0)
    sm = jnp.dot(cnt_row, z, preferred_element_type=jnp.float32) * (1.0 / N_NODES)
    v = jnp.dot(sm, w2_ref[...], preferred_element_type=jnp.float32)
    o = jnp.dot(v, w3_ref[...], preferred_element_type=jnp.float32)
    o_ref[...] = 1.0 / (1.0 + jnp.exp(-o))


def _final(h1p, cntp, w2p, w3p):
    return pl.pallas_call(
        _final_body,
        out_shape=jax.ShapeDtypeStruct((1, L), jnp.float32),
    )(h1p, cntp, w2p, w3p)


def kernel(features, edge_index, W1, W2, W3):
    src = edge_index[0].astype(jnp.int32)
    dst = edge_index[1].astype(jnp.int32)
    w1p = jnp.pad(W1.astype(jnp.float32), ((0, 0), (0, L - W1.shape[1])))
    w2p = jnp.pad(W2.astype(jnp.float32), ((0, L - W2.shape[0]), (0, L - W2.shape[1])))
    w3p = jnp.pad(W3.astype(jnp.float32), ((0, L - W3.shape[0]), (0, L - W3.shape[1])))
    g = _node_matmul(features.astype(jnp.float32), w1p)
    h1p, cntp = _edge_pass(g, src, dst)
    full = _final(h1p, cntp, w2p, w3p)
    return full[:, 0:1]

# --- scband reference (transcript-rebuilt; emitter-appended) ---
"""Pipeline reference for scband-net-gcn-74801150427782 (READ-ONLY COPY).

The authoritative reference and input builder live on the scoring server;
editing this copy changes nothing except your own understanding.
"""

import jax, jax.numpy as jnp
import numpy as np

N_NODES = 10000
N_EDGES = 320000
D_FEAT = 128
DIM = 10

def setup_inputs(seed: int = 0) -> dict:
    key = jax.random.key(seed)
    k_feat, k_edge, k1, k2, k3 = jax.random.split(key, 5)
    features = jax.random.normal(k_feat, (N_NODES, D_FEAT), dtype=jnp.float32)
    edge_index = jax.random.randint(k_edge, (2, N_EDGES), 0, N_NODES, dtype=jnp.int64)
    # GraphConv weights (bias=False) + final Linear(dim, 1, bias=False)
    W1 = jax.random.normal(k1, (D_FEAT, DIM), dtype=jnp.float32) * 0.05
    W2 = jax.random.normal(k2, (DIM, DIM), dtype=jnp.float32) * 0.05
    W3 = jax.random.normal(k3, (DIM, 1), dtype=jnp.float32) * 0.05
    return {"features": features, "edge_index": edge_index, "W1": W1, "W2": W2, "W3": W3}

def reference(features, edge_index, W1, W2, W3):
    # DGL GraphConv(norm='none', bias=False): h_dst = sum_{(src,dst) in E} (x_src @ W)
    src = edge_index[0]
    dst = edge_index[1]
    n = features.shape[0]
    # conv1 + relu
    h = features @ W1
    h = jax.ops.segment_sum(jnp.take(h, src, axis=0), dst, num_segments=n)
    h = jax.nn.relu(h)
    # conv2
    h = h @ W2
    h = jax.ops.segment_sum(jnp.take(h, src, axis=0), dst, num_segments=n)
    # dgl.mean_nodes over the single graph -> [1, dim]
    m = jnp.mean(h, axis=0, keepdims=True)
    # fc1 (bias=False) + sigmoid
    out = jax.nn.sigmoid(m @ W3)
    return out

if __name__ == "__main__":
    import jax
    _d = setup_inputs()
    print(jax.jit(kernel)(*tuple(_d.values())))

</pallas_src>

<mosaic_0001>
#map = affine_map<(d0, d1) -> (0, 0)>
#map1 = affine_map<(d0, d1) -> (0)>
module attributes {stable_mosaic.version = 14 : i64} {
  func.func @_edge_body(%arg0: i32, %arg1: i32, %arg2: memref<10000x16xbf16, #tpu.memory_space<hbm>>, %arg3: memref<320000xi32, #tpu.memory_space<hbm>>, %arg4: memref<320000xi32, #tpu.memory_space<hbm>>, %arg5: memref<20480x16xbf16, #tpu.memory_space<hbm>>, %arg6: memref<32x10240xf32, #tpu.memory_space<hbm>>, %arg7: memref<10000xi32, #tpu.memory_space<vmem>>, %arg8: memref<10000xi32, #tpu.memory_space<vmem>>, %arg9: memref<128x16xbf16, #tpu.memory_space<vmem>>, %arg10: memref<128x16xbf16, #tpu.memory_space<vmem>>, %arg11: memref<128x16xbf16, #tpu.memory_space<vmem>>, %arg12: memref<128x16xbf16, #tpu.memory_space<vmem>>, %arg13: memref<128x16xbf16, #tpu.memory_space<vmem>>, %arg14: memref<128x16xbf16, #tpu.memory_space<vmem>>, %arg15: memref<16x16xbf16, #tpu.memory_space<vmem>>, %arg16: memref<128x16xbf16, #tpu.memory_space<vmem>>, %arg17: memref<10240xf32, #tpu.memory_space<vmem>>, %arg18: memref<10240x16xbf16, #tpu.memory_space<vmem_shared>>, %arg19: memref<!tpu.dma_semaphore, #tpu.memory_space<semaphore_mem>>, %arg20: memref<!tpu.dma_semaphore, #tpu.memory_space<semaphore_mem>>, %arg21: memref<!tpu.dma_semaphore, #tpu.memory_space<semaphore_mem>>, %arg22: memref<!tpu.dma_semaphore, #tpu.memory_space<semaphore_mem>>, %arg23: memref<!tpu.dma_semaphore, #tpu.memory_space<semaphore_mem>>, %arg24: memref<!tpu.dma_semaphore, #tpu.memory_space<semaphore_mem>>, %arg25: memref<!tpu.dma_semaphore, #tpu.memory_space<semaphore_mem>>, %arg26: memref<!tpu.dma_semaphore, #tpu.memory_space<semaphore_mem>>, %arg27: memref<!tpu.dma_semaphore, #tpu.memory_space<semaphore_mem>>, %arg28: memref<!tpu.dma_semaphore, #tpu.memory_space<semaphore_mem>>, %arg29: memref<!tpu.dma_semaphore, #tpu.memory_space<semaphore_mem>>, %arg30: memref<!tpu.dma_semaphore, #tpu.memory_space<semaphore_mem>>) attributes {dimension_semantics = [#tpu.dimension_semantics<core_parallel>, #tpu.dimension_semantics<subcore_parallel>], iteration_bounds = array<i64: 2, 16>, scalar_prefetch = 0 : i64, scratch_operands = 24 : i64, tpu.core_type = #tpu.core_type<sc_vector_subcore>, window_params = [{transform_indices = #map}, {transform_indices = #map1}, {transform_indices = #map1}, {transform_indices = #map}, {transform_indices = #map}]} {
    %scan3A = arith.constant 0 : i32
    %scan3A_0 = arith.constant 0 : i32
    %scan3A_1 = arith.constant 640 : i32
    %scan3A_2 = arith.addi %scan3A_0, %scan3A_1 : i32
    %scan3A_3 = arith.constant 1 : i32
    scf.for %scan3A_78 = %scan3A_0 to %scan3A_2 step %scan3A_3  : i32 {
      %broadcast_in_dim3A_79 = arith.constant 0.000000e+00 : f32
      %broadcast_in_dim3A_80 = vector.broadcast %broadcast_in_dim3A_79 : f32 to vector<16xf32>
      %mul3A_81 = arith.constant 16 : i32
      %mul3A_82 = arith.muli %scan3A_78, %mul3A_81 : i32
      %swap3A = arith.index_cast %mul3A_82 : i32 to index
      %swap3A_83 = tpu.vector_load %arg17[%swap3A] {strides = array<i32>} : memref<10240xf32, #tpu.memory_space<vmem>>, vector<16xf32>,
      tpu.vector_store %arg17[%swap3A], %broadcast_in_dim3A_80 {strides = array<i32>} : memref<10240xf32, #tpu.memory_space<vmem>>, vector<16xf32>,
    }
    %scan3A_4 = arith.constant 640 : i32
    %scan3A_5 = arith.constant 0 : i32
    %scan3A_6 = arith.constant 0 : i32
    %scan3A_7 = arith.constant 64 : i32
    %scan3A_8 = arith.addi %scan3A_6, %scan3A_7 : i32
    %scan3A_9 = arith.constant 1 : i32
    scf.for %scan3A_78 = %scan3A_6 to %scan3A_8 step %scan3A_9  : i32 {
      %broadcast_in_dim3A_79 = arith.constant 0.000000e+00 : bf16
      %broadcast_in_dim3A_80 = vector.broadcast %broadcast_in_dim3A_79 : bf16 to vector<2x16xbf16>
      %mul3A_81 = arith.constant 2 : i32
      %mul3A_82 = arith.muli %mul3A_81, %scan3A_78 : i32
      %swap3A = arith.index_cast %mul3A_82 : i32 to index
      %swap3A_83 = arith.constant 0 : index
      %swap3A_84 = tpu.vector_load %arg16[%swap3A, %swap3A_83] {strides = array<i32>} : memref<128x16xbf16, #tpu.memory_space<vmem>>, vector<2x16xbf16>,
      tpu.vector_store %arg16[%swap3A, %swap3A_83], %broadcast_in_dim3A_80 {strides = array<i32>} : memref<128x16xbf16, #tpu.memory_space<vmem>>, vector<2x16xbf16>,
    }
    %scan3A_10 = arith.constant 64 : i32
    %mul3A = arith.constant 640 : i32
    %mul3A_11 = arith.muli %arg1, %mul3A : i32
    %add3A = arith.constant 0 : i32
    %add3A_12 = arith.addi %mul3A_11, %add3A : i32
    "tpu.region"() ({
      %run_scoped3A = tpu.sem_alloc : memref<!tpu.dma_semaphore, #tpu.memory_space<semaphore_mem>>
      %dma_start3A_78 = arith.constant 0 : i32
      %dma_start3A_79 = tpu.memref_slice %arg18[%add3A_12, %dma_start3A_78] : memref<10240x16xbf16, #tpu.memory_space<vmem_shared>> -> memref<128x16xbf16, #tpu.memory_space<vmem_shared>>
      %dma_start3A_80 = arith.constant 0 : i32
      %dma_start3A_81 = tpu.memref_slice %arg18[%add3A_12, %dma_start3A_80] : memref<10240x16xbf16, #tpu.memory_space<vmem_shared>> -> memref<128x16xbf16, #tpu.memory_space<vmem_shared>>
      tpu.enqueue_dma source(%arg16 : memref<128x16xbf16, #tpu.memory_space<vmem>>) target(%dma_start3A_81 : memref<128x16xbf16, #tpu.memory_space<vmem_shared>>) target_semaphore(%run_scoped3A : memref<!tpu.dma_semaphore, #tpu.memory_space<semaphore_mem>>)
      %dma_wait3A_82 = arith.constant 0 : i32
      %dma_wait3A_83 = tpu.memref_slice %arg18[%add3A_12, %dma_wait3A_82] : memref<10240x16xbf16, #tpu.memory_space<vmem_shared>> -> memref<128x16xbf16, #tpu.memory_space<vmem_shared>>
      %dma_wait3A_84 = arith.constant 0 : i32
      %dma_wait3A_85 = tpu.memref_slice %arg18[%add3A_12, %dma_wait3A_84] : memref<10240x16xbf16, #tpu.memory_space<vmem_shared>> -> memref<128x16xbf16, #tpu.memory_space<vmem_shared>>
      tpu.wait_dma2 semaphore(%run_scoped3A : memref<!tpu.dma_semaphore, #tpu.memory_space<semaphore_mem>>) src(%arg16 : memref<128x16xbf16, #tpu.memory_space<vmem>>) dst(%dma_wait3A_85 : memref<128x16xbf16, #tpu.memory_space<vmem_shared>>)
      tpu.yield
    }) : () -> ()
    %add3A_13 = arith.constant 128 : i32
    %add3A_14 = arith.addi %mul3A_11, %add3A_13 : i32
    "tpu.region"() ({
      %run_scoped3A = tpu.sem_alloc : memref<!tpu.dma_semaphore, #tpu.memory_space<semaphore_mem>>
      %dma_start3A_78 = arith.constant 0 : i32
      %dma_start3A_79 = tpu.memref_slice %arg18[%add3A_14, %dma_start3A_78] : memref<10240x16xbf16, #tpu.memory_space<vmem_shared>> -> memref<128x16xbf16, #tpu.memory_space<vmem_shared>>
      %dma_start3A_80 = arith.constant 0 : i32
      %dma_start3A_81 = tpu.memref_slice %arg18[%add3A_14, %dma_start3A_80] : memref<10240x16xbf16, #tpu.memory_space<vmem_shared>> -> memref<128x16xbf16, #tpu.memory_space<vmem_shared>>
      tpu.enqueue_dma source(%arg16 : memref<128x16xbf16, #tpu.memory_space<vmem>>) target(%dma_start3A_81 : memref<128x16xbf16, #tpu.memory_space<vmem_shared>>) target_semaphore(%run_scoped3A : memref<!tpu.dma_semaphore, #tpu.memory_space<semaphore_mem>>)
      %dma_wait3A_82 = arith.constant 0 : i32
      %dma_wait3A_83 = tpu.memref_slice %arg18[%add3A_14, %dma_wait3A_82] : memref<10240x16xbf16, #tpu.memory_space<vmem_shared>> -> memref<128x16xbf16, #tpu.memory_space<vmem_shared>>
      %dma_wait3A_84 = arith.constant 0 : i32
      %dma_wait3A_85 = tpu.memref_slice %arg18[%add3A_14, %dma_wait3A_84] : memref<10240x16xbf16, #tpu.memory_space<vmem_shared>> -> memref<128x16xbf16, #tpu.memory_space<vmem_shared>>
      tpu.wait_dma2 semaphore(%run_scoped3A : memref<!tpu.dma_semaphore, #tpu.memory_space<semaphore_mem>>) src(%arg16 : memref<128x16xbf16, #tpu.memory_space<vmem>>) dst(%dma_wait3A_85 : memref<128x16xbf16, #tpu.memory_space<vmem_shared>>)
      tpu.yield
    }) : () -> ()
    %add3A_15 = arith.constant 256 : i32
    %add3A_16 = arith.addi %mul3A_11, %add3A_15 : i32
    "tpu.region"() ({
      %run_scoped3A = tpu.sem_alloc : memref<!tpu.dma_semaphore, #tpu.memory_space<semaphore_mem>>
      %dma_start3A_78 = arith.constant 0 : i32
      %dma_start3A_79 = tpu.memref_slice %arg18[%add3A_16, %dma_start3A_78] : memref<10240x16xbf16, #tpu.memory_space<vmem_shared>> -> memref<128x16xbf16, #tpu.memory_space<vmem_shared>>
      %dma_start3A_80 = arith.constant 0 : i32
      %dma_start3A_81 = tpu.memref_slice %arg18[%add3A_16, %dma_start3A_80] : memref<10240x16xbf16, #tpu.memory_space<vmem_shared>> -> memref<128x16xbf16, #tpu.memory_space<vmem_shared>>
      tpu.enqueue_dma source(%arg16 : memref<128x16xbf16, #tpu.memory_space<vmem>>) target(%dma_start3A_81 : memref<128x16xbf16, #tpu.memory_space<vmem_shared>>) target_semaphore(%run_scoped3A : memref<!tpu.dma_semaphore, #tpu.memory_space<semaphore_mem>>)
      %dma_wait3A_82 = arith.constant 0 : i32
      %dma_wait3A_83 = tpu.memref_slice %arg18[%add3A_16, %dma_wait3A_82] : memref<10240x16xbf16, #tpu.memory_space<vmem_shared>> -> memref<128x16xbf16, #tpu.memory_space<vmem_shared>>
      %dma_wait3A_84 = arith.constant 0 : i32
      %dma_wait3A_85 = tpu.memref_slice %arg18[%add3A_16, %dma_wait3A_84] : memref<10240x16xbf16, #tpu.memory_space<vmem_shared>> -> memref<128x16xbf16, #tpu.memory_space<vmem_shared>>
      tpu.wait_dma2 semaphore(%run_scoped3A : memref<!tpu.dma_semaphore, #tpu.memory_space<semaphore_mem>>) src(%arg16 : memref<128x16xbf16, #tpu.memory_space<vmem>>) dst(%dma_wait3A_85 : memref<128x16xbf16, #tpu.memory_space<vmem_shared>>)
      tpu.yield
    }) : () -> ()
    %add3A_17 = arith.constant 384 : i32
    %add3A_18 = arith.addi %mul3A_11, %add3A_17 : i32
    "tpu.region"() ({
      %run_scoped3A = tpu.sem_alloc : memref<!tpu.dma_semaphore, #tpu.memory_space<semaphore_mem>>
      %dma_start3A_78 = arith.constant 0 : i32
      %dma_start3A_79 = tpu.memref_slice %arg18[%add3A_18, %dma_start3A_78] : memref<10240x16xbf16, #tpu.memory_space<vmem_shared>> -> memref<128x16xbf16, #tpu.memory_space<vmem_shared>>
      %dma_start3A_80 = arith.constant 0 : i32
      %dma_start3A_81 = tpu.memref_slice %arg18[%add3A_18, %dma_start3A_80] : memref<10240x16xbf16, #tpu.memory_space<vmem_shared>> -> memref<128x16xbf16, #tpu.memory_space<vmem_shared>>
      tpu.enqueue_dma source(%arg16 : memref<128x16xbf16, #tpu.memory_space<vmem>>) target(%dma_start3A_81 : memref<128x16xbf16, #tpu.memory_space<vmem_shared>>) target_semaphore(%run_scoped3A : memref<!tpu.dma_semaphore, #tpu.memory_space<semaphore_mem>>)
      %dma_wait3A_82 = arith.constant 0 : i32
      %dma_wait3A_83 = tpu.memref_slice %arg18[%add3A_18, %dma_wait3A_82] : memref<10240x16xbf16, #tpu.memory_space<vmem_shared>> -> memref<128x16xbf16, #tpu.memory_space<vmem_shared>>
      %dma_wait3A_84 = arith.constant 0 : i32
      %dma_wait3A_85 = tpu.memref_slice %arg18[%add3A_18, %dma_wait3A_84] : memref<10240x16xbf16, #tpu.memory_space<vmem_shared>> -> memref<128x16xbf16, #tpu.memory_space<vmem_shared>>
      tpu.wait_dma2 semaphore(%run_scoped3A : memref<!tpu.dma_semaphore, #tpu.memory_space<semaphore_mem>>) src(%arg16 : memref<128x16xbf16, #tpu.memory_space<vmem>>) dst(%dma_wait3A_85 : memref<128x16xbf16, #tpu.memory_space<vmem_shared>>)
      tpu.yield
    }) : () -> ()
    %add3A_19 = arith.constant 512 : i32
    %add3A_20 = arith.addi %mul3A_11, %add3A_19 : i32
    "tpu.region"() ({
      %run_scoped3A = tpu.sem_alloc : memref<!tpu.dma_semaphore, #tpu.memory_space<semaphore_mem>>
      %dma_start3A_78 = arith.constant 0 : i32
      %dma_start3A_79 = tpu.memref_slice %arg18[%add3A_20, %dma_start3A_78] : memref<10240x16xbf16, #tpu.memory_space<vmem_shared>> -> memref<128x16xbf16, #tpu.memory_space<vmem_shared>>
      %dma_start3A_80 = arith.constant 0 : i32
      %dma_start3A_81 = tpu.memref_slice %arg18[%add3A_20, %dma_start3A_80] : memref<10240x16xbf16, #tpu.memory_space<vmem_shared>> -> memref<128x16xbf16, #tpu.memory_space<vmem_shared>>
      tpu.enqueue_dma source(%arg16 : memref<128x16xbf16, #tpu.memory_space<vmem>>) target(%dma_start3A_81 : memref<128x16xbf16, #tpu.memory_space<vmem_shared>>) target_semaphore(%run_scoped3A : memref<!tpu.dma_semaphore, #tpu.memory_space<semaphore_mem>>)
      %dma_wait3A_82 = arith.constant 0 : i32
      %dma_wait3A_83 = tpu.memref_slice %arg18[%add3A_20, %dma_wait3A_82] : memref<10240x16xbf16, #tpu.memory_space<vmem_shared>> -> memref<128x16xbf16, #tpu.memory_space<vmem_shared>>
      %dma_wait3A_84 = arith.constant 0 : i32
      %dma_wait3A_85 = tpu.memref_slice %arg18[%add3A_20, %dma_wait3A_84] : memref<10240x16xbf16, #tpu.memory_space<vmem_shared>> -> memref<128x16xbf16, #tpu.memory_space<vmem_shared>>
      tpu.wait_dma2 semaphore(%run_scoped3A : memref<!tpu.dma_semaphore, #tpu.memory_space<semaphore_mem>>) src(%arg16 : memref<128x16xbf16, #tpu.memory_space<vmem>>) dst(%dma_wait3A_85 : memref<128x16xbf16, #tpu.memory_space<vmem_shared>>)
      tpu.yield
    }) : () -> ()
    %barrier3A = arith.constant 0 : index
    tpu.barrier barrier_id(%barrier3A)
    %mul3A_21 = arith.constant 2 : i32
    %mul3A_22 = arith.muli %arg1, %mul3A_21 : i32
    %add3A_23 = arith.addi %mul3A_22, %arg0 : i32
    %mul3A_24 = arith.constant 10000 : i32
    %mul3A_25 = arith.muli %add3A_23, %mul3A_24 : i32
    "tpu.region"() ({
      %run_scoped3A = tpu.sem_alloc : memref<!tpu.dma_semaphore, #tpu.memory_space<semaphore_mem>>
      %dma_start3A_78 = tpu.memref_slice %arg3[%mul3A_25] : memref<320000xi32, #tpu.memory_space<hbm>> -> memref<10000xi32, #tpu.memory_space<hbm>>
      %dma_start3A_79 = tpu.memref_slice %arg3[%mul3A_25] : memref<320000xi32, #tpu.memory_space<hbm>> -> memref<10000xi32, #tpu.memory_space<hbm>>
      tpu.enqueue_dma source(%dma_start3A_79 : memref<10000xi32, #tpu.memory_space<hbm>>) target(%arg7 : memref<10000xi32, #tpu.memory_space<vmem>>) target_semaphore(%run_scoped3A : memref<!tpu.dma_semaphore, #tpu.memory_space<semaphore_mem>>)
      %dma_wait3A_80 = tpu.memref_slice %arg3[%mul3A_25] : memref<320000xi32, #tpu.memory_space<hbm>> -> memref<10000xi32, #tpu.memory_space<hbm>>
      %dma_wait3A_81 = tpu.memref_slice %arg3[%mul3A_25] : memref<320000xi32, #tpu.memory_space<hbm>> -> memref<10000xi32, #tpu.memory_space<hbm>>
      tpu.wait_dma2 semaphore(%run_scoped3A : memref<!tpu.dma_semaphore, #tpu.memory_space<semaphore_mem>>) src(%dma_wait3A_81 : memref<10000xi32, #tpu.memory_space<hbm>>) dst(%arg7 : memref<10000xi32, #tpu.memory_space<vmem>>)
      tpu.yield
    }) : () -> ()
    "tpu.region"() ({
      %run_scoped3A = tpu.sem_alloc : memref<!tpu.dma_semaphore, #tpu.memory_space<semaphore_mem>>
      %dma_start3A_78 = tpu.memref_slice %arg4[%mul3A_25] : memref<320000xi32, #tpu.memory_space<hbm>> -> memref<10000xi32, #tpu.memory_space<hbm>>
      %dma_start3A_79 = tpu.memref_slice %arg4[%mul3A_25] : memref<320000xi32, #tpu.memory_space<hbm>> -> memref<10000xi32, #tpu.memory_space<hbm>>
      tpu.enqueue_dma source(%dma_start3A_79 : memref<10000xi32, #tpu.memory_space<hbm>>) target(%arg8 : memref<10000xi32, #tpu.memory_space<vmem>>) target_semaphore(%run_scoped3A : memref<!tpu.dma_semaphore, #tpu.memory_space<semaphore_mem>>)
      %dma_wait3A_80 = tpu.memref_slice %arg4[%mul3A_25] : memref<320000xi32, #tpu.memory_space<hbm>> -> memref<10000xi32, #tpu.memory_space<hbm>>
      %dma_wait3A_81 = tpu.memref_slice %arg4[%mul3A_25] : memref<320000xi32, #tpu.memory_space<hbm>> -> memref<10000xi32, #tpu.memory_space<hbm>>
      tpu.wait_dma2 semaphore(%run_scoped3A : memref<!tpu.dma_semaphore, #tpu.memory_space<semaphore_mem>>) src(%dma_wait3A_81 : memref<10000xi32, #tpu.memory_space<hbm>>) dst(%arg8 : memref<10000xi32, #tpu.memory_space<vmem>>)
      tpu.yield
    }) : () -> ()
    %iota3A = tpu.iota {dimensions = array<i32: 0>} : vector<16xi32>
    %broadcast_in_dim3A = arith.constant 1.000000e+00 : f32
    %broadcast_in_dim3A_26 = vector.broadcast %broadcast_in_dim3A : f32 to vector<16xf32>
    %dma_start3A = arith.constant 0 : i32
    %dma_start3A_27 = tpu.memref_slice %arg7[%dma_start3A] : memref<10000xi32, #tpu.memory_space<vmem>> -> memref<128xi32, #tpu.memory_space<vmem>>
    %dma_start3A_28 = arith.constant 0 : i32
    %dma_start3A_29 = arith.constant 0 : i32
    %dma_start3A_30 = tpu.memref_slice %arg2[%dma_start3A_28, %dma_start3A_29] : memref<10000x16xbf16, #tpu.memory_space<hbm>> -> memref<10000x16xbf16, #tpu.memory_space<hbm>>
    tpu.enqueue_indirect_dma source(%dma_start3A_30 : memref<10000x16xbf16, #tpu.memory_space<hbm>>) target(%arg9 : memref<128x16xbf16, #tpu.memory_space<vmem>>) offsets(%dma_start3A_27 : memref<128xi32, #tpu.memory_space<vmem>>) semaphore(%arg19 : memref<!tpu.dma_semaphore, #tpu.memory_space<semaphore_mem>>)
    %dma_start3A_31 = arith.constant 128 : i32
    %dma_start3A_32 = tpu.memref_slice %arg7[%dma_start3A_31] : memref<10000xi32, #tpu.memory_space<vmem>> -> memref<128xi32, #tpu.memory_space<vmem>>
    %dma_start3A_33 = arith.constant 0 : i32
    %dma_start3A_34 = arith.constant 0 : i32
    %dma_start3A_35 = tpu.memref_slice %arg2[%dma_start3A_33, %dma_start3A_34] : memref<10000x16xbf16, #tpu.memory_space<hbm>> -> memref<10000x16xbf16, #tpu.memory_space<hbm>>
    tpu.enqueue_indirect_dma source(%dma_start3A_35 : memref<10000x16xbf16, #tpu.memory_space<hbm>>) target(%arg10 : memref<128x16xbf16, #tpu.memory_space<vmem>>) offsets(%dma_start3A_32 : memref<128xi32, #tpu.memory_space<vmem>>) semaphore(%arg20 : memref<!tpu.dma_semaphore, #tpu.memory_space<semaphore_mem>>)
    %dma_start3A_36 = arith.constant 256 : i32
    %dma_start3A_37 = tpu.memref_slice %arg7[%dma_start3A_36] : memref<10000xi32, #tpu.memory_space<vmem>> -> memref<128xi32, #tpu.memory_space<vmem>>
    %dma_start3A_38 = arith.constant 0 : i32
    %dma_start3A_39 = arith.constant 0 : i32
    %dma_start3A_40 = tpu.memref_slice %arg2[%dma_start3A_38, %dma_start3A_39] : memref<10000x16xbf16, #tpu.memory_space<hbm>> -> memref<10000x16xbf16, #tpu.memory_space<hbm>>
    tpu.enqueue_indirect_dma source(%dma_start3A_40 : memref<10000x16xbf16, #tpu.memory_space<hbm>>) target(%arg11 : memref<128x16xbf16, #tpu.memory_space<vmem>>) offsets(%dma_start3A_37 : memref<128xi32, #tpu.memory_space<vmem>>) semaphore(%arg21 : memref<!tpu.dma_semaphore, #tpu.memory_space<semaphore_mem>>)
    %scan3A_41 = arith.constant 0 : i32
    %scan3A_42 = arith.constant 0 : i32
    %scan3A_43 = arith.constant 13 : i32
    %scan3A_44 = arith.addi %scan3A_42, %scan3A_43 : i32
    %scan3A_45 = arith.constant 1 : i32
    scf.for %scan3A_78 = %scan3A_42 to %scan3A_44 step %scan3A_45  : i32 {
      %mul3A_79 = arith.constant 6 : i32
      %mul3A_80 = arith.muli %mul3A_79, %scan3A_78 : i32
      %add3A_81 = arith.constant 0 : i32
      %add3A_82 = arith.addi %mul3A_80, %add3A_81 : i32
      %mul3A_83 = arith.constant 128 : i32
      %mul3A_84 = arith.muli %add3A_82, %mul3A_83 : i32
      %dma_wait3A_85 = tpu.memref_slice %arg7[%mul3A_84] : memref<10000xi32, #tpu.memory_space<vmem>> -> memref<128xi32, #tpu.memory_space<vmem>>
      %dma_wait3A_86 = arith.constant 0 : i32
      %dma_wait3A_87 = arith.constant 0 : i32
      %dma_wait3A_88 = tpu.memref_slice %arg2[%dma_wait3A_86, %dma_wait3A_87] : memref<10000x16xbf16, #tpu.memory_space<hbm>> -> memref<10000x16xbf16, #tpu.memory_space<hbm>>
      tpu.wait_indirect_dma semaphore(%arg19 : memref<!tpu.dma_semaphore, #tpu.memory_space<semaphore_mem>>) src(%dma_wait3A_88 : memref<10000x16xbf16, #tpu.memory_space<hbm>>) dst(%arg9 : memref<128x16xbf16, #tpu.memory_space<vmem>>)
      %mul3A_89 = arith.constant 128 : i32
      %mul3A_90 = arith.muli %add3A_82, %mul3A_89 : i32
      %add3A_91 = arith.constant 0 : i32
      %add3A_92 = arith.addi %mul3A_90, %add3A_91 : i32
      %add3A_93 = vector.broadcast %add3A_92 : i32 to vector<16xi32>
      %add3A_94 = arith.addi %iota3A, %add3A_93 : vector<16xi32>
      %gather3A_95 = tpu.vector_load_idx %arg7[%add3A_94] : memref<10000xi32, #tpu.memory_space<vmem>>[vector<16xi32>], vector<16xi32>,
      tpu.vector_store_idx %arg17[%gather3A_95], %broadcast_in_dim3A_26 {add = true} : memref<10240xf32, #tpu.memory_space<vmem>>[vector<16xi32>], vector<16xf32>,
      %mul3A_96 = arith.constant 128 : i32
      %mul3A_97 = arith.muli %add3A_82, %mul3A_96 : i32
      %add3A_98 = arith.constant 16 : i32
      %add3A_99 = arith.addi %mul3A_97, %add3A_98 : i32
      %add3A_100 = vector.broadcast %add3A_99 : i32 to vector<16xi32>
      %add3A_101 = arith.addi %iota3A, %add3A_100 : vector<16xi32>
      %gather3A_102 = tpu.vector_load_idx %arg7[%add3A_101] : memref<10000xi32, #tpu.memory_space<vmem>>[vector<16xi32>], vector<16xi32>,
      tpu.vector_store_idx %arg17[%gather3A_102], %broadcast_in_dim3A_26 {add = true} : memref<10240xf32, #tpu.memory_space<vmem>>[vector<16xi32>], vector<16xf32>,
      %mul3A_103 = arith.constant 128 : i32
      %mul3A_104 = arith.muli %add3A_82, %mul3A_103 : i32
      %add3A_105 = arith.constant 32 : i32
      %add3A_106 = arith.addi %mul3A_104, %add3A_105 : i32
      %add3A_107 = vector.broadcast %add3A_106 : i32 to vector<16xi32>
      %add3A_108 = arith.addi %iota3A, %add3A_107 : vector<16xi32>
      %gather3A_109 = tpu.vector_load_idx %arg7[%add3A_108] : memref<10000xi32, #tpu.memory_space<vmem>>[vector<16xi32>], vector<16xi32>,
      tpu.vector_store_idx %arg17[%gather3A_109], %broadcast_in_dim3A_26 {add = true} : memref<10240xf32, #tpu.memory_space<vmem>>[vector<16xi32>], vector<16xf32>,
      %mul3A_110 = arith.constant 128 : i32
      %mul3A_111 = arith.muli %add3A_82, %mul3A_110 : i32
      %add3A_112 = arith.constant 48 : i32
      %add3A_113 = arith.addi %mul3A_111, %add3A_112 : i32
      %add3A_114 = vector.broadcast %add3A_113 : i32 to vector<16xi32>
      %add3A_115 = arith.addi %iota3A, %add3A_114 : vector<16xi32>
      %gather3A_116 = tpu.vector_load_idx %arg7[%add3A_115] : memref<10000xi32, #tpu.memory_space<vmem>>[vector<16xi32>], vector<16xi32>,
      tpu.vector_store_idx %arg17[%gather3A_116], %broadcast_in_dim3A_26 {add = true} : memref<10240xf32, #tpu.memory_space<vmem>>[vector<16xi32>], vector<16xf32>,
      %mul3A_117 = arith.constant 128 : i32
      %mul3A_118 = arith.muli %add3A_82, %mul3A_117 : i32
      %add3A_119 = arith.constant 64 : i32
      %add3A_120 = arith.addi %mul3A_118, %add3A_119 : i32
      %add3A_121 = vector.broadcast %add3A_120 : i32 to vector<16xi32>
      %add3A_122 = arith.addi %iota3A, %add3A_121 : vector<16xi32>
      %gather3A_123 = tpu.vector_load_idx %arg7[%add3A_122] : memref<10000xi32, #tpu.memory_space<vmem>>[vector<16xi32>], vector<16xi32>,
      tpu.vector_store_idx %arg17[%gather3A_123], %broadcast_in_dim3A_26 {add = true} : memref<10240xf32, #tpu.memory_space<vmem>>[vector<16xi32>], vector<16xf32>,
      %mul3A_124 = arith.constant 128 : i32
      %mul3A_125 = arith.muli %add3A_82, %mul3A_124 : i32
      %add3A_126 = arith.constant 80 : i32
      %add3A_127 = arith.addi %mul3A_125, %add3A_126 : i32
      %add3A_128 = vector.broadcast %add3A_127 : i32 to vector<16xi32>
      %add3A_129 = arith.addi %iota3A, %add3A_128 : vector<16xi32>
      %gather3A_130 = tpu.vector_load_idx %arg7[%add3A_129] : memref<10000xi32, #tpu.memory_space<vmem>>[vector<16xi32>], vector<16xi32>,
      tpu.vector_store_idx %arg17[%gather3A_130], %broadcast_in_dim3A_26 {add = true} : memref<10240xf32, #tpu.memory_space<vmem>>[vector<16xi32>], vector<16xf32>,
      %mul3A_131 = arith.constant 128 : i32
      %mul3A_132 = arith.muli %add3A_82, %mul3A_131 : i32
      %add3A_133 = arith.constant 96 : i32
      %add3A_134 = arith.addi %mul3A_132, %add3A_133 : i32
      %add3A_135 = vector.broadcast %add3A_134 : i32 to vector<16xi32>
      %add3A_136 = arith.addi %iota3A, %add3A_135 : vector<16xi32>
      %gather3A_137 = tpu.vector_load_idx %arg7[%add3A_136] : memref<10000xi32, #tpu.memory_space<vmem>>[vector<16xi32>], vector<16xi32>,
      tpu.vector_store_idx %arg17[%gather3A_137], %broadcast_in_dim3A_26 {add = true} : memref<10240xf32, #tpu.memory_space<vmem>>[vector<16xi32>], vector<16xf32>,
      %mul3A_138 = arith.constant 128 : i32
      %mul3A_139 = arith.muli %add3A_82, %mul3A_138 : i32
      %add3A_140 = arith.constant 112 : i32
      %add3A_141 = arith.addi %mul3A_139, %add3A_140 : i32
      %add3A_142 = vector.broadcast %add3A_141 : i32 to vector<16xi32>
      %add3A_143 = arith.addi %iota3A, %add3A_142 : vector<16xi32>
      %gather3A_144 = tpu.vector_load_idx %arg7[%add3A_143] : memref<10000xi32, #tpu.memory_space<vmem>>[vector<16xi32>], vector<16xi32>,
      tpu.vector_store_idx %arg17[%gather3A_144], %broadcast_in_dim3A_26 {add = true} : memref<10240xf32, #tpu.memory_space<vmem>>[vector<16xi32>], vector<16xf32>,
      %mul3A_145 = arith.constant 128 : i32
      %mul3A_146 = arith.muli %add3A_82, %mul3A_145 : i32
      %dma_start3A_147 = tpu.memref_slice %arg8[%mul3A_146] : memref<10000xi32, #tpu.memory_space<vmem>> -> memref<128xi32, #tpu.memory_space<vmem>>
      %dma_start3A_148 = arith.constant 0 : i32
      %dma_start3A_149 = arith.constant 0 : i32
      %dma_start3A_150 = tpu.memref_slice %arg18[%dma_start3A_148, %dma_start3A_149] : memref<10240x16xbf16, #tpu.memory_space<vmem_shared>> -> memref<10240x16xbf16, #tpu.memory_space<vmem_shared>>
      tpu.enqueue_indirect_dma source(%arg9 : memref<128x16xbf16, #tpu.memory_space<vmem>>) target(%dma_start3A_150 : memref<10240x16xbf16, #tpu.memory_space<vmem_shared>>) offsets(%dma_start3A_147 : memref<128xi32, #tpu.memory_space<vmem>>) semaphore(%arg25 : memref<!tpu.dma_semaphore, #tpu.memory_space<semaphore_mem>>) {add = true}
      %ge3A = arith.constant 3 : i32
      %ge3A_151 = arith.cmpi sge, %add3A_82, %ge3A : i32
      %convert_element_type3A = arith.extui %ge3A_151 : i1 to i32
      %cond3A = arith.constant 0 : i32
      %cond3A_152 = arith.cmpi ne, %convert_element_type3A, %cond3A : i32
      scf.if %cond3A_152 {
        %sub3A = arith.constant 3 : i32
        %sub3A_579 = arith.subi %add3A_82, %sub3A : i32
        %mul3A_580 = arith.constant 128 : i32
        %mul3A_581 = arith.muli %sub3A_579, %mul3A_580 : i32
        %dma_wait3A_582 = tpu.memref_slice %arg8[%mul3A_581] : memref<10000xi32, #tpu.memory_space<vmem>> -> memref<128xi32, #tpu.memory_space<vmem>>
        %dma_wait3A_583 = arith.constant 0 : i32
        %dma_wait3A_584 = arith.constant 0 : i32
        %dma_wait3A_585 = tpu.memref_slice %arg18[%dma_wait3A_583, %dma_wait3A_584] : memref<10240x16xbf16, #tpu.memory_space<vmem_shared>> -> memref<10240x16xbf16, #tpu.memory_space<vmem_shared>>
        tpu.wait_indirect_dma semaphore(%arg28 : memref<!tpu.dma_semaphore, #tpu.memory_space<semaphore_mem>>) src(%arg12 : memref<128x16xbf16, #tpu.memory_space<vmem>>) dst(%dma_wait3A_585 : memref<10240x16xbf16, #tpu.memory_space<vmem_shared>>)
      } else {
      }
      %add3A_153 = arith.constant 3 : i32
      %add3A_154 = arith.addi %add3A_82, %add3A_153 : i32
      %lt3A = arith.constant 78 : i32
      %lt3A_155 = arith.cmpi slt, %add3A_154, %lt3A : i32
      %convert_element_type3A_156 = arith.extui %lt3A_155 : i1 to i32
      %cond3A_157 = arith.constant 0 : i32
      %cond3A_158 = arith.cmpi ne, %convert_element_type3A_156, %cond3A_157 : i32
      scf.if %cond3A_158 {
        %add3A_579 = arith.constant 3 : i32
        %add3A_580 = arith.addi %add3A_82, %add3A_579 : i32
        %mul3A_581 = arith.constant 128 : i32
        %mul3A_582 = arith.muli %add3A_580, %mul3A_581 : i32
        %dma_start3A_583 = tpu.memref_slice %arg7[%mul3A_582] : memref<10000xi32, #tpu.memory_space<vmem>> -> memref<128xi32, #tpu.memory_space<vmem>>
        %dma_start3A_584 = arith.constant 0 : i32
        %dma_start3A_585 = arith.constant 0 : i32
        %dma_start3A_586 = tpu.memref_slice %arg2[%dma_start3A_584, %dma_start3A_585] : memref<10000x16xbf16, #tpu.memory_space<hbm>> -> memref<10000x16xbf16, #tpu.memory_space<hbm>>
        tpu.enqueue_indirect_dma source(%dma_start3A_586 : memref<10000x16xbf16, #tpu.memory_space<hbm>>) target(%arg12 : memref<128x16xbf16, #tpu.memory_space<vmem>>) offsets(%dma_start3A_583 : memref<128xi32, #tpu.memory_space<vmem>>) semaphore(%arg22 : memref<!tpu.dma_semaphore, #tpu.memory_space<semaphore_mem>>)
      } else {
      }
      %mul3A_159 = arith.constant 6 : i32
      %mul3A_160 = arith.muli %mul3A_159, %scan3A_78 : i32
      %add3A_161 = arith.constant 1 : i32
      %add3A_162 = arith.addi %mul3A_160, %add3A_161 : i32
      %mul3A_163 = arith.constant 128 : i32
      %mul3A_164 = arith.muli %add3A_162, %mul3A_163 : i32
      %dma_wait3A_165 = tpu.memref_slice %arg7[%mul3A_164] : memref<10000xi32, #tpu.memory_space<vmem>> -> memref<128xi32, #tpu.memory_space<vmem>>
      %dma_wait3A_166 = arith.constant 0 : i32
      %dma_wait3A_167 = arith.constant 0 : i32
      %dma_wait3A_168 = tpu.memref_slice %arg2[%dma_wait3A_166, %dma_wait3A_167] : memref<10000x16xbf16, #tpu.memory_space<hbm>> -> memref<10000x16xbf16, #tpu.memory_space<hbm>>
      tpu.wait_indirect_dma semaphore(%arg20 : memref<!tpu.dma_semaphore, #tpu.memory_space<semaphore_mem>>) src(%dma_wait3A_168 : memref<10000x16xbf16, #tpu.memory_space<hbm>>) dst(%arg10 : memref<128x16xbf16, #tpu.memory_space<vmem>>)
      %mul3A_169 = arith.constant 128 : i32
      %mul3A_170 = arith.muli %add3A_162, %mul3A_169 : i32
      %add3A_171 = arith.constant 0 : i32
      %add3A_172 = arith.addi %mul3A_170, %add3A_171 : i32
      %add3A_173 = vector.broadcast %add3A_172 : i32 to vector<16xi32>
      %add3A_174 = arith.addi %iota3A, %add3A_173 : vector<16xi32>
      %gather3A_175 = tpu.vector_load_idx %arg7[%add3A_174] : memref<10000xi32, #tpu.memory_space<vmem>>[vector<16xi32>], vector<16xi32>,
      tpu.vector_store_idx %arg17[%gather3A_175], %broadcast_in_dim3A_26 {add = true} : memref<10240xf32, #tpu.memory_space<vmem>>[vector<16xi32>], vector<16xf32>,
      %mul3A_176 = arith.constant 128 : i32
      %mul3A_177 = arith.muli %add3A_162, %mul3A_176 : i32
      %add3A_178 = arith.constant 16 : i32
      %add3A_179 = arith.addi %mul3A_177, %add3A_178 : i32
      %add3A_180 = vector.broadcast %add3A_179 : i32 to vector<16xi32>
      %add3A_181 = arith.addi %iota3A, %add3A_180 : vector<16xi32>
      %gather3A_182 = tpu.vector_load_idx %arg7[%add3A_181] : memref<10000xi32, #tpu.memory_space<vmem>>[vector<16xi32>], vector<16xi32>,
      tpu.vector_store_idx %arg17[%gather3A_182], %broadcast_in_dim3A_26 {add = true} : memref<10240xf32, #tpu.memory_space<vmem>>[vector<16xi32>], vector<16xf32>,
      %mul3A_183 = arith.constant 128 : i32
      %mul3A_184 = arith.muli %add3A_162, %mul3A_183 : i32
      %add3A_185 = arith.constant 32 : i32
      %add3A_186 = arith.addi %mul3A_184, %add3A_185 : i32
      %add3A_187 = vector.broadcast %add3A_186 : i32 to vector<16xi32>
      %add3A_188 = arith.addi %iota3A, %add3A_187 : vector<16xi32>
      %gather3A_189 = tpu.vector_load_idx %arg7[%add3A_188] : memref<10000xi32, #tpu.memory_space<vmem>>[vector<16xi32>], vector<16xi32>,
      tpu.vector_store_idx %arg17[%gather3A_189], %broadcast_in_dim3A_26 {add = true} : memref<10240xf32, #tpu.memory_space<vmem>>[vector<16xi32>], vector<16xf32>,
      %mul3A_190 = arith.constant 128 : i32
      %mul3A_191 = arith.muli %add3A_162, %mul3A_190 : i32
      %add3A_192 = arith.constant 48 : i32
      %add3A_193 = arith.addi %mul3A_191, %add3A_192 : i32
      %add3A_194 = vector.broadcast %add3A_193 : i32 to vector<16xi32>
      %add3A_195 = arith.addi %iota3A, %add3A_194 : vector<16xi32>
      %gather3A_196 = tpu.vector_load_idx %arg7[%add3A_195] : memref<10000xi32, #tpu.memory_space<vmem>>[vector<16xi32>], vector<16xi32>,
      tpu.vector_store_idx %arg17[%gather3A_196], %broadcast_in_dim3A_26 {add = true} : memref<10240xf32, #tpu.memory_space<vmem>>[vector<16xi32>], vector<16xf32>,
      %mul3A_197 = arith.constant 128 : i32
      %mul3A_198 = arith.muli %add3A_162, %mul3A_197 : i32
      %add3A_199 = arith.constant 64 : i32
      %add3A_200 = arith.addi %mul3A_198, %add3A_199 : i32
      %add3A_201 = vector.broadcast %add3A_200 : i32 to vector<16xi32>
      %add3A_202 = arith.addi %iota3A, %add3A_201 : vector<16xi32>
      %gather3A_203 = tpu.vector_load_idx %arg7[%add3A_202] : memref<10000xi32, #tpu.memory_space<vmem>>[vector<16xi32>], vector<16xi32>,
      tpu.vector_store_idx %arg17[%gather3A_203], %broadcast_in_dim3A_26 {add = true} : memref<10240xf32, #tpu.memory_space<vmem>>[vector<16xi32>], vector<16xf32>,
      %mul3A_204 = arith.constant 128 : i32
      %mul3A_205 = arith.muli %add3A_162, %mul3A_204 : i32
      %add3A_206 = arith.constant 80 : i32
      %add3A_207 = arith.addi %mul3A_205, %add3A_206 : i32
      %add3A_208 = vector.broadcast %add3A_207 : i32 to vector<16xi32>
      %add3A_209 = arith.addi %iota3A, %add3A_208 : vector<16xi32>
      %gather3A_210 = tpu.vector_load_idx %arg7[%add3A_209] : memref<10000xi32, #tpu.memory_space<vmem>>[vector<16xi32>], vector<16xi32>,
      tpu.vector_store_idx %arg17[%gather3A_210], %broadcast_in_dim3A_26 {add = true} : memref<10240xf32, #tpu.memory_space<vmem>>[vector<16xi32>], vector<16xf32>,
      %mul3A_211 = arith.constant 128 : i32
      %mul3A_212 = arith.muli %add3A_162, %mul3A_211 : i32
      %add3A_213 = arith.constant 96 : i32
      %add3A_214 = arith.addi %mul3A_212, %add3A_213 : i32
      %add3A_215 = vector.broadcast %add3A_214 : i32 to vector<16xi32>
      %add3A_216 = arith.addi %iota3A, %add3A_215 : vector<16xi32>
      %gather3A_217 = tpu.vector_load_idx %arg7[%add3A_216] : memref<10000xi32, #tpu.memory_space<vmem>>[vector<16xi32>], vector<16xi32>,
      tpu.vector_store_idx %arg17[%gather3A_217], %broadcast_in_dim3A_26 {add = true} : memref<10240xf32, #tpu.memory_space<vmem>>[vector<16xi32>], vector<16xf32>,
      %mul3A_218 = arith.constant 128 : i32
      %mul3A_219 = arith.muli %add3A_162, %mul3A_218 : i32
      %add3A_220 = arith.constant 112 : i32
      %add3A_221 = arith.addi %mul3A_219, %add3A_220 : i32
      %add3A_222 = vector.broadcast %add3A_221 : i32 to vector<16xi32>
      %add3A_223 = arith.addi %iota3A, %add3A_222 : vector<16xi32>
      %gather3A_224 = tpu.vector_load_idx %arg7[%add3A_223] : memref<10000xi32, #tpu.memory_space<vmem>>[vector<16xi32>], vector<16xi32>,
      tpu.vector_store_idx %arg17[%gather3A_224], %broadcast_in_dim3A_26 {add = true} : memref<10240xf32, #tpu.memory_space<vmem>>[vector<16xi32>], vector<16xf32>,
      %mul3A_225 = arith.constant 128 : i32
      %mul3A_226 = arith.muli %add3A_162, %mul3A_225 : i32
      %dma_start3A_227 = tpu.memref_slice %arg8[%mul3A_226] : memref<10000xi32, #tpu.memory_space<vmem>> -> memref<128xi32, #tpu.memory_space<vmem>>
      %dma_start3A_228 = arith.constant 0 : i32
      %dma_start3A_229 = arith.constant 0 : i32
      %dma_start3A_230 = tpu.memref_slice %arg18[%dma_start3A_228, %dma_start3A_229] : memref<10240x16xbf16, #tpu.memory_space<vmem_shared>> -> memref<10240x16xbf16, #tpu.memory_space<vmem_shared>>
      tpu.enqueue_indirect_dma source(%arg10 : memref<128x16xbf16, #tpu.memory_space<vmem>>) target(%dma_start3A_230 : memref<10240x16xbf16, #tpu.memory_space<vmem_shared>>) offsets(%dma_start3A_227 : memref<128xi32, #tpu.memory_space<vmem>>) semaphore(%arg26 : memref<!tpu.dma_semaphore, #tpu.memory_space<semaphore_mem>>) {add = true}
      %ge3A_231 = arith.constant 3 : i32
      %ge3A_232 = arith.cmpi sge, %add3A_162, %ge3A_231 : i32
      %convert_element_type3A_233 = arith.extui %ge3A_232 : i1 to i32
      %cond3A_234 = arith.constant 0 : i32
      %cond3A_235 = arith.cmpi ne, %convert_element_type3A_233, %cond3A_234 : i32
      scf.if %cond3A_235 {
        %sub3A = arith.constant 3 : i32
        %sub3A_579 = arith.subi %add3A_162, %sub3A : i32
        %mul3A_580 = arith.constant 128 : i32
        %mul3A_581 = arith.muli %sub3A_579, %mul3A_580 : i32
        %dma_wait3A_582 = tpu.memref_slice %arg8[%mul3A_581] : memref<10000xi32, #tpu.memory_space<vmem>> -> memref<128xi32, #tpu.memory_space<vmem>>
        %dma_wait3A_583 = arith.constant 0 : i32
        %dma_wait3A_584 = arith.constant 0 : i32
        %dma_wait3A_585 = tpu.memref_slice %arg18[%dma_wait3A_583, %dma_wait3A_584] : memref<10240x16xbf16, #tpu.memory_space<vmem_shared>> -> memref<10240x16xbf16, #tpu.memory_space<vmem_shared>>
        tpu.wait_indirect_dma semaphore(%arg29 : memref<!tpu.dma_semaphore, #tpu.memory_space<semaphore_mem>>) src(%arg13 : memref<128x16xbf16, #tpu.memory_space<vmem>>) dst(%dma_wait3A_585 : memref<10240x16xbf16, #tpu.memory_space<vmem_shared>>)
      } else {
      }
      %add3A_236 = arith.constant 3 : i32
      %add3A_237 = arith.addi %add3A_162, %add3A_236 : i32
      %lt3A_238 = arith.constant 78 : i32
      %lt3A_239 = arith.cmpi slt, %add3A_237, %lt3A_238 : i32
      %convert_element_type3A_240 = arith.extui %lt3A_239 : i1 to i32
      %cond3A_241 = arith.constant 0 : i32
      %cond3A_242 = arith.cmpi ne, %convert_element_type3A_240, %cond3A_241 : i32
      scf.if %cond3A_242 {
        %add3A_579 = arith.constant 3 : i32
        %add3A_580 = arith.addi %add3A_162, %add3A_579 : i32
        %mul3A_581 = arith.constant 128 : i32
        %mul3A_582 = arith.muli %add3A_580, %mul3A_581 : i32
        %dma_start3A_583 = tpu.memref_slice %arg7[%mul3A_582] : memref<10000xi32, #tpu.memory_space<vmem>> -> memref<128xi32, #tpu.memory_space<vmem>>
        %dma_start3A_584 = arith.constant 0 : i32
        %dma_start3A_585 = arith.constant 0 : i32
        %dma_start3A_586 = tpu.memref_slice %arg2[%dma_start3A_584, %dma_start3A_585] : memref<10000x16xbf16, #tpu.memory_space<hbm>> -> memref<10000x16xbf16, #tpu.memory_space<hbm>>
        tpu.enqueue_indirect_dma source(%dma_start3A_586 : memref<10000x16xbf16, #tpu.memory_space<hbm>>) target(%arg13 : memref<128x16xbf16, #tpu.memory_space<vmem>>) offsets(%dma_start3A_583 : memref<128xi32, #tpu.memory_space<vmem>>) semaphore(%arg23 : memref<!tpu.dma_semaphore, #tpu.memory_space<semaphore_mem>>)
      } else {
      }
      %mul3A_243 = arith.constant 6 : i32
      %mul3A_244 = arith.muli %mul3A_243, %scan3A_78 : i32
      %add3A_245 = arith.constant 2 : i32
      %add3A_246 = arith.addi %mul3A_244, %add3A_245 : i32
      %mul3A_247 = arith.constant 128 : i32
      %mul3A_248 = arith.muli %add3A_246, %mul3A_247 : i32
      %dma_wait3A_249 = tpu.memref_slice %arg7[%mul3A_248] : memref<10000xi32, #tpu.memory_space<vmem>> -> memref<128xi32, #tpu.memory_space<vmem>>
      %dma_wait3A_250 = arith.constant 0 : i32
      %dma_wait3A_251 = arith.constant 0 : i32
      %dma_wait3A_252 = tpu.memref_slice %arg2[%dma_wait3A_250, %dma_wait3A_251] : memref<10000x16xbf16, #tpu.memory_space<hbm>> -> memref<10000x16xbf16, #tpu.memory_space<hbm>>
      tpu.wait_indirect_dma semaphore(%arg21 : memref<!tpu.dma_semaphore, #tpu.memory_space<semaphore_mem>>) src(%dma_wait3A_252 : memref<10000x16xbf16, #tpu.memory_space<hbm>>) dst(%arg11 : memref<128x16xbf16, #tpu.memory_space<vmem>>)
      %mul3A_253 = arith.constant 128 : i32
      %mul3A_254 = arith.muli %add3A_246, %mul3A_253 : i32
      %add3A_255 = arith.constant 0 : i32
      %add3A_256 = arith.addi %mul3A_254, %add3A_255 : i32
      %add3A_257 = vector.broadcast %add3A_256 : i32 to vector<16xi32>
      %add3A_258 = arith.addi %iota3A, %add3A_257 : vector<16xi32>
      %gather3A_259 = tpu.vector_load_idx %arg7[%add3A_258] : memref<10000xi32, #tpu.memory_space<vmem>>[vector<16xi32>], vector<16xi32>,
      tpu.vector_store_idx %arg17[%gather3A_259], %broadcast_in_dim3A_26 {add = true} : memref<10240xf32, #tpu.memory_space<vmem>>[vector<16xi32>], vector<16xf32>,
      %mul3A_260 = arith.constant 128 : i32
      %mul3A_261 = arith.muli %add3A_246, %mul3A_260 : i32
      %add3A_262 = arith.constant 16 : i32
      %add3A_263 = arith.addi %mul3A_261, %add3A_262 : i32
      %add3A_264 = vector.broadcast %add3A_263 : i32 to vector<16xi32>
      %add3A_265 = arith.addi %iota3A, %add3A_264 : vector<16xi32>
      %gather3A_266 = tpu.vector_load_idx %arg7[%add3A_265] : memref<10000xi32, #tpu.memory_space<vmem>>[vector<16xi32>], vector<16xi32>,
      tpu.vector_store_idx %arg17[%gather3A_266], %broadcast_in_dim3A_26 {add = true} : memref<10240xf32, #tpu.memory_space<vmem>>[vector<16xi32>], vector<16xf32>,
      %mul3A_267 = arith.constant 128 : i32
      %mul3A_268 = arith.muli %add3A_246, %mul3A_267 : i32
      %add3A_269 = arith.constant 32 : i32
      %add3A_270 = arith.addi %mul3A_268, %add3A_269 : i32
      %add3A_271 = vector.broadcast %add3A_270 : i32 to vector<16xi32>
      %add3A_272 = arith.addi %iota3A, %add3A_271 : vector<16xi32>
      %gather3A_273 = tpu.vector_load_idx %arg7[%add3A_272] : memref<10000xi32, #tpu.memory_space<vmem>>[vector<16xi32>], vector<16xi32>,
      tpu.vector_store_idx %arg17[%gather3A_273], %broadcast_in_dim3A_26 {add = true} : memref<10240xf32, #tpu.memory_space<vmem>>[vector<16xi32>], vector<16xf32>,
      %mul3A_274 = arith.constant 128 : i32
      %mul3A_275 = arith.muli %add3A_246, %mul3A_274 : i32
      %add3A_276 = arith.constant 48 : i32
      %add3A_277 = arith.addi %mul3A_275, %add3A_276 : i32
      %add3A_278 = vector.broadcast %add3A_277 : i32 to vector<16xi32>
      %add3A_279 = arith.addi %iota3A, %add3A_278 : vector<16xi32>
      %gather3A_280 = tpu.vector_load_idx %arg7[%add3A_279] : memref<10000xi32, #tpu.memory_space<vmem>>[vector<16xi32>], vector<16xi32>,
      tpu.vector_store_idx %arg17[%gather3A_280], %broadcast_in_dim3A_26 {add = true} : memref<10240xf32, #tpu.memory_space<vmem>>[vector<16xi32>], vector<16xf32>,
      %mul3A_281 = arith.constant 128 : i32
      %mul3A_282 = arith.muli %add3A_246, %mul3A_281 : i32
      %add3A_283 = arith.constant 64 : i32
      %add3A_284 = arith.addi %mul3A_282, %add3A_283 : i32
      %add3A_285 = vector.broadcast %add3A_284 : i32 to vector<16xi32>
      %add3A_286 = arith.addi %iota3A, %add3A_285 : vector<16xi32>
      %gather3A_287 = tpu.vector_load_idx %arg7[%add3A_286] : memref<10000xi32, #tpu.memory_space<vmem>>[vector<16xi32>], vector<16xi32>,
      tpu.vector_store_idx %arg17[%gather3A_287], %broadcast_in_dim3A_26 {add = true} : memref<10240xf32, #tpu.memory_space<vmem>>[vector<16xi32>], vector<16xf32>,
      %mul3A_288 = arith.constant 128 : i32
      %mul3A_289 = arith.muli %add3A_246, %mul3A_288 : i32
      %add3A_290 = arith.constant 80 : i32
      %add3A_291 = arith.addi %mul3A_289, %add3A_290 : i32
      %add3A_292 = vector.broadcast %add3A_291 : i32 to vector<16xi32>
      %add3A_293 = arith.addi %iota3A, %add3A_292 : vector<16xi32>
      %gather3A_294 = tpu.vector_load_idx %arg7[%add3A_293] : memref<10000xi32, #tpu.memory_space<vmem>>[vector<16xi32>], vector<16xi32>,
      tpu.vector_store_idx %arg17[%gather3A_294], %broadcast_in_dim3A_26 {add = true} : memref<10240xf32, #tpu.memory_space<vmem>>[vector<16xi32>], vector<16xf32>,
      %mul3A_295 = arith.constant 128 : i32
      %mul3A_296 = arith.muli %add3A_246, %mul3A_295 : i32
      %add3A_297 = arith.constant 96 : i32
      %add3A_298 = arith.addi %mul3A_296, %add3A_297 : i32
      %add3A_299 = vector.broadcast %add3A_298 : i32 to vector<16xi32>
      %add3A_300 = arith.addi %iota3A, %add3A_299 : vector<16xi32>
      %gather3A_301 = tpu.vector_load_idx %arg7[%add3A_300] : memref<10000xi32, #tpu.memory_space<vmem>>[vector<16xi32>], vector<16xi32>,
      tpu.vector_store_idx %arg17[%gather3A_301], %broadcast_in_dim3A_26 {add = true} : memref<10240xf32, #tpu.memory_space<vmem>>[vector<16xi32>], vector<16xf32>,
      %mul3A_302 = arith.constant 128 : i32
      %mul3A_303 = arith.muli %add3A_246, %mul3A_302 : i32
      %add3A_304 = arith.constant 112 : i32
      %add3A_305 = arith.addi %mul3A_303, %add3A_304 : i32
      %add3A_306 = vector.broadcast %add3A_305 : i32 to vector<16xi32>
      %add3A_307 = arith.addi %iota3A, %add3A_306 : vector<16xi32>
      %gather3A_308 = tpu.vector_load_idx %arg7[%add3A_307] : memref<10000xi32, #tpu.memory_space<vmem>>[vector<16xi32>], vector<16xi32>,
      tpu.vector_store_idx %arg17[%gather3A_308], %broadcast_in_dim3A_26 {add = true} : memref<10240xf32, #tpu.memory_space<vmem>>[vector<16xi32>], vector<16xf32>,
      %mul3A_309 = arith.constant 128 : i32
      %mul3A_310 = arith.muli %add3A_246, %mul3A_309 : i32
      %dma_start3A_311 = tpu.memref_slice %arg8[%mul3A_310] : memref<10000xi32, #tpu.memory_space<vmem>> -> memref<128xi32, #tpu.memory_space<vmem>>
      %dma_start3A_312 = arith.constant 0 : i32
      %dma_start3A_313 = arith.constant 0 : i32
      %dma_start3A_314 = tpu.memref_slice %arg18[%dma_start3A_312, %dma_start3A_313] : memref<10240x16xbf16, #tpu.memory_space<vmem_shared>> -> memref<10240x16xbf16, #tpu.memory_space<vmem_shared>>
      tpu.enqueue_indirect_dma source(%arg11 : memref<128x16xbf16, #tpu.memory_space<vmem>>) target(%dma_start3A_314 : memref<10240x16xbf16, #tpu.memory_space<vmem_shared>>) offsets(%dma_start3A_311 : memref<128xi32, #tpu.memory_space<vmem>>) semaphore(%arg27 : memref<!tpu.dma_semaphore, #tpu.memory_space<semaphore_mem>>) {add = true}
      %ge3A_315 = arith.constant 3 : i32
      %ge3A_316 = arith.cmpi sge, %add3A_246, %ge3A_315 : i32
      %convert_element_type3A_317 = arith.extui %ge3A_316 : i1 to i32
      %cond3A_318 = arith.constant 0 : i32
      %cond3A_319 = arith.cmpi ne, %convert_element_type3A_317, %cond3A_318 : i32
      scf.if %cond3A_319 {
        %sub3A = arith.constant 3 : i32
        %sub3A_579 = arith.subi %add3A_246, %sub3A : i32
        %mul3A_580 = arith.constant 128 : i32
        %mul3A_581 = arith.muli %sub3A_579, %mul3A_580 : i32
        %dma_wait3A_582 = tpu.memref_slice %arg8[%mul3A_581] : memref<10000xi32, #tpu.memory_space<vmem>> -> memref<128xi32, #tpu.memory_space<vmem>>
        %dma_wait3A_583 = arith.constant 0 : i32
        %dma_wait3A_584 = arith.constant 0 : i32
        %dma_wait3A_585 = tpu.memref_slice %arg18[%dma_wait3A_583, %dma_wait3A_584] : memref<10240x16xbf16, #tpu.memory_space<vmem_shared>> -> memref<10240x16xbf16, #tpu.memory_space<vmem_shared>>
        tpu.wait_indirect_dma semaphore(%arg30 : memref<!tpu.dma_semaphore, #tpu.memory_space<semaphore_mem>>) src(%arg14 : memref<128x16xbf16, #tpu.memory_space<vmem>>) dst(%dma_wait3A_585 : memref<10240x16xbf16, #tpu.memory_space<vmem_shared>>)
      } else {
      }
      %add3A_320 = arith.constant 3 : i32
      %add3A_321 = arith.addi %add3A_246, %add3A_320 : i32
      %lt3A_322 = arith.constant 78 : i32
      %lt3A_323 = arith.cmpi slt, %add3A_321, %lt3A_322 : i32
      %convert_element_type3A_324 = arith.extui %lt3A_323 : i1 to i32
      %cond3A_325 = arith.constant 0 : i32
      %cond3A_326 = arith.cmpi ne, %convert_element_type3A_324, %cond3A_325 : i32
      scf.if %cond3A_326 {
        %add3A_579 = arith.constant 3 : i32
        %add3A_580 = arith.addi %add3A_246, %add3A_579 : i32
        %mul3A_581 = arith.constant 128 : i32
        %mul3A_582 = arith.muli %add3A_580, %mul3A_581 : i32
        %dma_start3A_583 = tpu.memref_slice %arg7[%mul3A_582] : memref<10000xi32, #tpu.memory_space<vmem>> -> memref<128xi32, #tpu.memory_space<vmem>>
        %dma_start3A_584 = arith.constant 0 : i32
        %dma_start3A_585 = arith.constant 0 : i32
        %dma_start3A_586 = tpu.memref_slice %arg2[%dma_start3A_584, %dma_start3A_585] : memref<10000x16xbf16, #tpu.memory_space<hbm>> -> memref<10000x16xbf16, #tpu.memory_space<hbm>>
        tpu.enqueue_indirect_dma source(%dma_start3A_586 : memref<10000x16xbf16, #tpu.memory_space<hbm>>) target(%arg14 : memref<128x16xbf16, #tpu.memory_space<vmem>>) offsets(%dma_start3A_583 : memref<128xi32, #tpu.memory_space<vmem>>) semaphore(%arg24 : memref<!tpu.dma_semaphore, #tpu.memory_space<semaphore_mem>>)
      } else {
      }
      %mul3A_327 = arith.constant 6 : i32
      %mul3A_328 = arith.muli %mul3A_327, %scan3A_78 : i32
      %add3A_329 = arith.constant 3 : i32
      %add3A_330 = arith.addi %mul3A_328, %add3A_329 : i32
      %mul3A_331 = arith.constant 128 : i32
      %mul3A_332 = arith.muli %add3A_330, %mul3A_331 : i32
      %dma_wait3A_333 = tpu.memref_slice %arg7[%mul3A_332] : memref<10000xi32, #tpu.memory_space<vmem>> -> memref<128xi32, #tpu.memory_space<vmem>>
      %dma_wait3A_334 = arith.constant 0 : i32
      %dma_wait3A_335 = arith.constant 0 : i32
      %dma_wait3A_336 = tpu.memref_slice %arg2[%dma_wait3A_334, %dma_wait3A_335] : memref<10000x16xbf16, #tpu.memory_space<hbm>> -> memref<10000x16xbf16, #tpu.memory_space<hbm>>
      tpu.wait_indirect_dma semaphore(%arg22 : memref<!tpu.dma_semaphore, #tpu.memory_space<semaphore_mem>>) src(%dma_wait3A_336 : memref<10000x16xbf16, #tpu.memory_space<hbm>>) dst(%arg12 : memref<128x16xbf16, #tpu.memory_space<vmem>>)
      %mul3A_337 = arith.constant 128 : i32
      %mul3A_338 = arith.muli %add3A_330, %mul3A_337 : i32
      %add3A_339 = arith.constant 0 : i32
      %add3A_340 = arith.addi %mul3A_338, %add3A_339 : i32
      %add3A_341 = vector.broadcast %add3A_340 : i32 to vector<16xi32>
      %add3A_342 = arith.addi %iota3A, %add3A_341 : vector<16xi32>
      %gather3A_343 = tpu.vector_load_idx %arg7[%add3A_342] : memref<10000xi32, #tpu.memory_space<vmem>>[vector<16xi32>], vector<16xi32>,
      tpu.vector_store_idx %arg17[%gather3A_343], %broadcast_in_dim3A_26 {add = true} : memref<10240xf32, #tpu.memory_space<vmem>>[vector<16xi32>], vector<16xf32>,
      %mul3A_344 = arith.constant 128 : i32
      %mul3A_345 = arith.muli %add3A_330, %mul3A_344 : i32
      %add3A_346 = arith.constant 16 : i32
      %add3A_347 = arith.addi %mul3A_345, %add3A_346 : i32
      %add3A_348 = vector.broadcast %add3A_347 : i32 to vector<16xi32>
      %add3A_349 = arith.addi %iota3A, %add3A_348 : vector<16xi32>
      %gather3A_350 = tpu.vector_load_idx %arg7[%add3A_349] : memref<10000xi32, #tpu.memory_space<vmem>>[vector<16xi32>], vector<16xi32>,
      tpu.vector_store_idx %arg17[%gather3A_350], %broadcast_in_dim3A_26 {add = true} : memref<10240xf32, #tpu.memory_space<vmem>>[vector<16xi32>], vector<16xf32>,
      %mul3A_351 = arith.constant 128 : i32
      %mul3A_352 = arith.muli %add3A_330, %mul3A_351 : i32
      %add3A_353 = arith.constant 32 : i32
      %add3A_354 = arith.addi %mul3A_352, %add3A_353 : i32
      %add3A_355 = vector.broadcast %add3A_354 : i32 to vector<16xi32>
      %add3A_356 = arith.addi %iota3A, %add3A_355 : vector<16xi32>
      %gather3A_357 = tpu.vector_load_idx %arg7[%add3A_356] : memref<10000xi32, #tpu.memory_space<vmem>>[vector<16xi32>], vector<16xi32>,
      tpu.vector_store_idx %arg17[%gather3A_357], %broadcast_in_dim3A_26 {add = true} : memref<10240xf32, #tpu.memory_space<vmem>>[vector<16xi32>], vector<16xf32>,
      %mul3A_358 = arith.constant 128 : i32
      %mul3A_359 = arith.muli %add3A_330, %mul3A_358 : i32
      %add3A_360 = arith.constant 48 : i32
      %add3A_361 = arith.addi %mul3A_359, %add3A_360 : i32
      %add3A_362 = vector.broadcast %add3A_361 : i32 to vector<16xi32>
      %add3A_363 = arith.addi %iota3A, %add3A_362 : vector<16xi32>
      %gather3A_364 = tpu.vector_load_idx %arg7[%add3A_363] : memref<10000xi32, #tpu.memory_space<vmem>>[vector<16xi32>], vector<16xi32>,
      tpu.vector_store_idx %arg17[%gather3A_364], %broadcast_in_dim3A_26 {add = true} : memref<10240xf32, #tpu.memory_space<vmem>>[vector<16xi32>], vector<16xf32>,
      %mul3A_365 = arith.constant 128 : i32
      %mul3A_366 = arith.muli %add3A_330, %mul3A_365 : i32
      %add3A_367 = arith.constant 64 : i32
      %add3A_368 = arith.addi %mul3A_366, %add3A_367 : i32
      %add3A_369 = vector.broadcast %add3A_368 : i32 to vector<16xi32>
      %add3A_370 = arith.addi %iota3A, %add3A_369 : vector<16xi32>
      %gather3A_371 = tpu.vector_load_idx %arg7[%add3A_370] : memref<10000xi32, #tpu.memory_space<vmem>>[vector<16xi32>], vector<16xi32>,
      tpu.vector_store_idx %arg17[%gather3A_371], %broadcast_in_dim3A_26 {add = true} : memref<10240xf32, #tpu.memory_space<vmem>>[vector<16xi32>], vector<16xf32>,
      %mul3A_372 = arith.constant 128 : i32
      %mul3A_373 = arith.muli %add3A_330, %mul3A_372 : i32
      %add3A_374 = arith.constant 80 : i32
      %add3A_375 = arith.addi %mul3A_373, %add3A_374 : i32
      %add3A_376 = vector.broadcast %add3A_375 : i32 to vector<16xi32>
      %add3A_377 = arith.addi %iota3A, %add3A_376 : vector<16xi32>
      %gather3A_378 = tpu.vector_load_idx %arg7[%add3A_377] : memref<10000xi32, #tpu.memory_space<vmem>>[vector<16xi32>], vector<16xi32>,
      tpu.vector_store_idx %arg17[%gather3A_378], %broadcast_in_dim3A_26 {add = true} : memref<10240xf32, #tpu.memory_space<vmem>>[vector<16xi32>], vector<16xf32>,
      %mul3A_379 = arith.constant 128 : i32
      %mul3A_380 = arith.muli %add3A_330, %mul3A_379 : i32
      %add3A_381 = arith.constant 96 : i32
      %add3A_382 = arith.addi %mul3A_380, %add3A_381 : i32
      %add3A_383 = vector.broadcast %add3A_382 : i32 to vector<16xi32>
      %add3A_384 = arith.addi %iota3A, %add3A_383 : vector<16xi32>
      %gather3A_385 = tpu.vector_load_idx %arg7[%add3A_384] : memref<10000xi32, #tpu.memory_space<vmem>>[vector<16xi32>], vector<16xi32>,
      tpu.vector_store_idx %arg17[%gather3A_385], %broadcast_in_dim3A_26 {add = true} : memref<10240xf32, #tpu.memory_space<vmem>>[vector<16xi32>], vector<16xf32>,
      %mul3A_386 = arith.constant 128 : i32
      %mul3A_387 = arith.muli %add3A_330, %mul3A_386 : i32
      %add3A_388 = arith.constant 112 : i32
      %add3A_389 = arith.addi %mul3A_387, %add3A_388 : i32
      %add3A_390 = vector.broadcast %add3A_389 : i32 to vector<16xi32>
      %add3A_391 = arith.addi %iota3A, %add3A_390 : vector<16xi32>
      %gather3A_392 = tpu.vector_load_idx %arg7[%add3A_391] : memref<10000xi32, #tpu.memory_space<vmem>>[vector<16xi32>], vector<16xi32>,
      tpu.vector_store_idx %arg17[%gather3A_392], %broadcast_in_dim3A_26 {add = true} : memref<10240xf32, #tpu.memory_space<vmem>>[vector<16xi32>], vector<16xf32>,
      %mul3A_393 = arith.constant 128 : i32
      %mul3A_394 = arith.muli %add3A_330, %mul3A_393 : i32
      %dma_start3A_395 = tpu.memref_slice %arg8[%mul3A_394] : memref<10000xi32, #tpu.memory_space<vmem>> -> memref<128xi32, #tpu.memory_space<vmem>>
      %dma_start3A_396 = arith.constant 0 : i32
      %dma_start3A_397 = arith.constant 0 : i32
      %dma_start3A_398 = tpu.memref_slice %arg18[%dma_start3A_396, %dma_start3A_397] : memref<10240x16xbf16, #tpu.memory_space<vmem_shared>> -> memref<10240x16xbf16, #tpu.memory_space<vmem_shared>>
      tpu.enqueue_indirect_dma source(%arg12 : memref<128x16xbf16, #tpu.memory_space<vmem>>) target(%dma_start3A_398 : memref<10240x16xbf16, #tpu.memory_space<vmem_shared>>) offsets(%dma_start3A_395 : memref<128xi32, #tpu.memory_space<vmem>>) semaphore(%arg28 : memref<!tpu.dma_semaphore, #tpu.memory_space<semaphore_mem>>) {add = true}
      %ge3A_399 = arith.constant 3 : i32
      %ge3A_400 = arith.cmpi sge, %add3A_330, %ge3A_399 : i32
      %convert_element_type3A_401 = arith.extui %ge3A_400 : i1 to i32
      %cond3A_402 = arith.constant 0 : i32
      %cond3A_403 = arith.cmpi ne, %convert_element_type3A_401, %cond3A_402 : i32
      scf.if %cond3A_403 {
        %sub3A = arith.constant 3 : i32
        %sub3A_579 = arith.subi %add3A_330, %sub3A : i32
        %mul3A_580 = arith.constant 128 : i32
        %mul3A_581 = arith.muli %sub3A_579, %mul3A_580 : i32
        %dma_wait3A_582 = tpu.memref_slice %arg8[%mul3A_581] : memref<10000xi32, #tpu.memory_space<vmem>> -> memref<128xi32, #tpu.memory_space<vmem>>
        %dma_wait3A_583 = arith.constant 0 : i32
        %dma_wait3A_584 = arith.constant 0 : i32
        %dma_wait3A_585 = tpu.memref_slice %arg18[%dma_wait3A_583, %dma_wait3A_584] : memref<10240x16xbf16, #tpu.memory_space<vmem_shared>> -> memref<10240x16xbf16, #tpu.memory_space<vmem_shared>>
        tpu.wait_indirect_dma semaphore(%arg25 : memref<!tpu.dma_semaphore, #tpu.memory_space<semaphore_mem>>) src(%arg9 : memref<128x16xbf16, #tpu.memory_space<vmem>>) dst(%dma_wait3A_585 : memref<10240x16xbf16, #tpu.memory_space<vmem_shared>>)
      } else {
      }
      %add3A_404 = arith.constant 3 : i32
      %add3A_405 = arith.addi %add3A_330, %add3A_404 : i32
      %lt3A_406 = arith.constant 78 : i32
      %lt3A_407 = arith.cmpi slt, %add3A_405, %lt3A_406 : i32
      %convert_element_type3A_408 = arith.extui %lt3A_407 : i1 to i32
      %cond3A_409 = arith.constant 0 : i32
      %cond3A_410 = arith.cmpi ne, %convert_element_type3A_408, %cond3A_409 : i32
      scf.if %cond3A_410 {
        %add3A_579 = arith.constant 3 : i32
        %add3A_580 = arith.addi %add3A_330, %add3A_579 : i32
        %mul3A_581 = arith.constant 128 : i32
        %mul3A_582 = arith.muli %add3A_580, %mul3A_581 : i32
        %dma_start3A_583 = tpu.memref_slice %arg7[%mul3A_582] : memref<10000xi32, #tpu.memory_space<vmem>> -> memref<128xi32, #tpu.memory_space<vmem>>
        %dma_start3A_584 = arith.constant 0 : i32
        %dma_start3A_585 = arith.constant 0 : i32
        %dma_start3A_586 = tpu.memref_slice %arg2[%dma_start3A_584, %dma_start3A_585] : memref<10000x16xbf16, #tpu.memory_space<hbm>> -> memref<10000x16xbf16, #tpu.memory_space<hbm>>
        tpu.enqueue_indirect_dma source(%dma_start3A_586 : memref<10000x16xbf16, #tpu.memory_space<hbm>>) target(%arg9 : memref<128x16xbf16, #tpu.memory_space<vmem>>) offsets(%dma_start3A_583 : memref<128xi32, #tpu.memory_space<vmem>>) semaphore(%arg19 : memref<!tpu.dma_semaphore, #tpu.memory_space<semaphore_mem>>)
      } else {
      }
      %mul3A_411 = arith.constant 6 : i32
      %mul3A_412 = arith.muli %mul3A_411, %scan3A_78 : i32
      %add3A_413 = arith.constant 4 : i32
      %add3A_414 = arith.addi %mul3A_412, %add3A_413 : i32
      %mul3A_415 = arith.constant 128 : i32
      %mul3A_416 = arith.muli %add3A_414, %mul3A_415 : i32
      %dma_wait3A_417 = tpu.memref_slice %arg7[%mul3A_416] : memref<10000xi32, #tpu.memory_space<vmem>> -> memref<128xi32, #tpu.memory_space<vmem>>
      %dma_wait3A_418 = arith.constant 0 : i32
      %dma_wait3A_419 = arith.constant 0 : i32
      %dma_wait3A_420 = tpu.memref_slice %arg2[%dma_wait3A_418, %dma_wait3A_419] : memref<10000x16xbf16, #tpu.memory_space<hbm>> -> memref<10000x16xbf16, #tpu.memory_space<hbm>>
      tpu.wait_indirect_dma semaphore(%arg23 : memref<!tpu.dma_semaphore, #tpu.memory_space<semaphore_mem>>) src(%dma_wait3A_420 : memref<10000x16xbf16, #tpu.memory_space<hbm>>) dst(%arg13 : memref<128x16xbf16, #tpu.memory_space<vmem>>)
      %mul3A_421 = arith.constant 128 : i32
      %mul3A_422 = arith.muli %add3A_414, %mul3A_421 : i32
      %add3A_423 = arith.constant 0 : i32
      %add3A_424 = arith.addi %mul3A_422, %add3A_423 : i32
      %add3A_425 = vector.broadcast %add3A_424 : i32 to vector<16xi32>
      %add3A_426 = arith.addi %iota3A, %add3A_425 : vector<16xi32>
      %gather3A_427 = tpu.vector_load_idx %arg7[%add3A_426] : memref<10000xi32, #tpu.memory_space<vmem>>[vector<16xi32>], vector<16xi32>,
      tpu.vector_store_idx %arg17[%gather3A_427], %broadcast_in_dim3A_26 {add = true} : memref<10240xf32, #tpu.memory_space<vmem>>[vector<16xi32>], vector<16xf32>,
      %mul3A_428 = arith.constant 128 : i32
      %mul3A_429 = arith.muli %add3A_414, %mul3A_428 : i32
      %add3A_430 = arith.constant 16 : i32
      %add3A_431 = arith.addi %mul3A_429, %add3A_430 : i32
      %add3A_432 = vector.broadcast %add3A_431 : i32 to vector<16xi32>
      %add3A_433 = arith.addi %iota3A, %add3A_432 : vector<16xi32>
      %gather3A_434 = tpu.vector_load_idx %arg7[%add3A_433] : memref<10000xi32, #tpu.memory_space<vmem>>[vector<16xi32>], vector<16xi32>,
      tpu.vector_store_idx %arg17[%gather3A_434], %broadcast_in_dim3A_26 {add = true} : memref<10240xf32, #tpu.memory_space<vmem>>[vector<16xi32>], vector<16xf32>,
      %mul3A_435 = arith.constant 128 : i32
      %mul3A_436 = arith.muli %add3A_414, %mul3A_435 : i32
      %add3A_437 = arith.constant 32 : i32
      %add3A_438 = arith.addi %mul3A_436, %add3A_437 : i32
      %add3A_439 = vector.broadcast %add3A_438 : i32 to vector<16xi32>
      %add3A_440 = arith.addi %iota3A, %add3A_439 : vector<16xi32>
      %gather3A_441 = tpu.vector_load_idx %arg7[%add3A_440] : memref<10000xi32, #tpu.memory_space<vmem>>[vector<16xi32>], vector<16xi32>,
      tpu.vector_store_idx %arg17[%gather3A_441], %broadcast_in_dim3A_26 {add = true} : memref<10240xf32, #tpu.memory_space<vmem>>[vector<16xi32>], vector<16xf32>,
      %mul3A_442 = arith.constant 128 : i32
      %mul3A_443 = arith.muli %add3A_414, %mul3A_442 : i32
      %add3A_444 = arith.constant 48 : i32
      %add3A_445 = arith.addi %mul3A_443, %add3A_444 : i32
      %add3A_446 = vector.broadcast %add3A_445 : i32 to vector<16xi32>
      %add3A_447 = arith.addi %iota3A, %add3A_446 : vector<16xi32>
      %gather3A_448 = tpu.vector_load_idx %arg7[%add3A_447] : memref<10000xi32, #tpu.memory_space<vmem>>[vector<16xi32>], vector<16xi32>,
      tpu.vector_store_idx %arg17[%gather3A_448], %broadcast_in_dim3A_26 {add = true} : memref<10240xf32, #tpu.memory_space<vmem>>[vector<16xi32>], vector<16xf32>,
      %mul3A_449 = arith.constant 128 : i32
      %mul3A_450 = arith.muli %add3A_414, %mul3A_449 : i32
      %add3A_451 = arith.constant 64 : i32
      %add3A_452 = arith.addi %mul3A_450, %add3A_451 : i32
      %add3A_453 = vector.broadcast %add3A_452 : i32 to vector<16xi32>
      %add3A_454 = arith.addi %iota3A, %add3A_453 : vector<16xi32>
      %gather3A_455 = tpu.vector_load_idx %arg7[%add3A_454] : memref<10000xi32, #tpu.memory_space<vmem>>[vector<16xi32>], vector<16xi32>,
      tpu.vector_store_idx %arg17[%gather3A_455], %broadcast_in_dim3A_26 {add = true} : memref<10240xf32, #tpu.memory_space<vmem>>[vector<16xi32>], vector<16xf32>,
      %mul3A_456 = arith.constant 128 : i32
      %mul3A_457 = arith.muli %add3A_414, %mul3A_456 : i32
      %add3A_458 = arith.constant 80 : i32
      %add3A_459 = arith.addi %mul3A_457, %add3A_458 : i32
      %add3A_460 = vector.broadcast %add3A_459 : i32 to vector<16xi32>
      %add3A_461 = arith.addi %iota3A, %add3A_460 : vector<16xi32>
      %gather3A_462 = tpu.vector_load_idx %arg7[%add3A_461] : memref<10000xi32, #tpu.memory_space<vmem>>[vector<16xi32>], vector<16xi32>,
      tpu.vector_store_idx %arg17[%gather3A_462], %broadcast_in_dim3A_26 {add = true} : memref<10240xf32, #tpu.memory_space<vmem>>[vector<16xi32>], vector<16xf32>,
      %mul3A_463 = arith.constant 128 : i32
      %mul3A_464 = arith.muli %add3A_414, %mul3A_463 : i32
      %add3A_465 = arith.constant 96 : i32
      %add3A_466 = arith.addi %mul3A_464, %add3A_465 : i32
      %add3A_467 = vector.broadcast %add3A_466 : i32 to vector<16xi32>
      %add3A_468 = arith.addi %iota3A, %add3A_467 : vector<16xi32>
      %gather3A_469 = tpu.vector_load_idx %arg7[%add3A_468] : memref<10000xi32, #tpu.memory_space<vmem>>[vector<16xi32>], vector<16xi32>,
      tpu.vector_store_idx %arg17[%gather3A_469], %broadcast_in_dim3A_26 {add = true} : memref<10240xf32, #tpu.memory_space<vmem>>[vector<16xi32>], vector<16xf32>,
      %mul3A_470 = arith.constant 128 : i32
      %mul3A_471 = arith.muli %add3A_414, %mul3A_470 : i32
      %add3A_472 = arith.constant 112 : i32
      %add3A_473 = arith.addi %mul3A_471, %add3A_472 : i32
      %add3A_474 = vector.broadcast %add3A_473 : i32 to vector<16xi32>
      %add3A_475 = arith.addi %iota3A, %add3A_474 : vector<16xi32>
      %gather3A_476 = tpu.vector_load_idx %arg7[%add3A_475] : memref<10000xi32, #tpu.memory_space<vmem>>[vector<16xi32>], vector<16xi32>,
      tpu.vector_store_idx %arg17[%gather3A_476], %broadcast_in_dim3A_26 {add = true} : memref<10240xf32, #tpu.memory_space<vmem>>[vector<16xi32>], vector<16xf32>,
      %mul3A_477 = arith.constant 128 : i32
      %mul3A_478 = arith.muli %add3A_414, %mul3A_477 : i32
      %dma_start3A_479 = tpu.memref_slice %arg8[%mul3A_478] : memref<10000xi32, #tpu.memory_space<vmem>> -> memref<128xi32, #tpu.memory_space<vmem>>
      %dma_start3A_480 = arith.constant 0 : i32
      %dma_start3A_481 = arith.constant 0 : i32
      %dma_start3A_482 = tpu.memref_slice %arg18[%dma_start3A_480, %dma_start3A_481] : memref<10240x16xbf16, #tpu.memory_space<vmem_shared>> -> memref<10240x16xbf16, #tpu.memory_space<vmem_shared>>
      tpu.enqueue_indirect_dma source(%arg13 : memref<128x16xbf16, #tpu.memory_space<vmem>>) target(%dma_start3A_482 : memref<10240x16xbf16, #tpu.memory_space<vmem_shared>>) offsets(%dma_start3A_479 : memref<128xi32, #tpu.memory_space<vmem>>) semaphore(%arg29 : memref<!tpu.dma_semaphore, #tpu.memory_space<semaphore_mem>>) {add = true}
      %ge3A_483 = arith.constant 3 : i32
      %ge3A_484 = arith.cmpi sge, %add3A_414, %ge3A_483 : i32
      %convert_element_type3A_485 = arith.extui %ge3A_484 : i1 to i32
      %cond3A_486 = arith.constant 0 : i32
      %cond3A_487 = arith.cmpi ne, %convert_element_type3A_485, %cond3A_486 : i32
      scf.if %cond3A_487 {
        %sub3A = arith.constant 3 : i32
        %sub3A_579 = arith.subi %add3A_414, %sub3A : i32
        %mul3A_580 = arith.constant 128 : i32
        %mul3A_581 = arith.muli %sub3A_579, %mul3A_580 : i32
        %dma_wait3A_582 = tpu.memref_slice %arg8[%mul3A_581] : memref<10000xi32, #tpu.memory_space<vmem>> -> memref<128xi32, #tpu.memory_space<vmem>>
        %dma_wait3A_583 = arith.constant 0 : i32
        %dma_wait3A_584 = arith.constant 0 : i32
        %dma_wait3A_585 = tpu.memref_slice %arg18[%dma_wait3A_583, %dma_wait3A_584] : memref<10240x16xbf16, #tpu.memory_space<vmem_shared>> -> memref<10240x16xbf16, #tpu.memory_space<vmem_shared>>
        tpu.wait_indirect_dma semaphore(%arg26 : memref<!tpu.dma_semaphore, #tpu.memory_space<semaphore_mem>>) src(%arg10 : memref<128x16xbf16, #tpu.memory_space<vmem>>) dst(%dma_wait3A_585 : memref<10240x16xbf16, #tpu.memory_space<vmem_shared>>)
      } else {
      }
      %add3A_488 = arith.constant 3 : i32
      %add3A_489 = arith.addi %add3A_414, %add3A_488 : i32
      %lt3A_490 = arith.constant 78 : i32
      %lt3A_491 = arith.cmpi slt, %add3A_489, %lt3A_490 : i32
      %convert_element_type3A_492 = arith.extui %lt3A_491 : i1 to i32
      %cond3A_493 = arith.constant 0 : i32
      %cond3A_494 = arith.cmpi ne, %convert_element_type3A_492, %cond3A_493 : i32
      scf.if %cond3A_494 {
        %add3A_579 = arith.constant 3 : i32
        %add3A_580 = arith.addi %add3A_414, %add3A_579 : i32
        %mul3A_581 = arith.constant 128 : i32
        %mul3A_582 = arith.muli %add3A_580, %mul3A_581 : i32
        %dma_start3A_583 = tpu.memref_slice %arg7[%mul3A_582] : memref<10000xi32, #tpu.memory_space<vmem>> -> memref<128xi32, #tpu.memory_space<vmem>>
        %dma_start3A_584 = arith.constant 0 : i32
        %dma_start3A_585 = arith.constant 0 : i32
        %dma_start3A_586 = tpu.memref_slice %arg2[%dma_start3A_584, %dma_start3A_585] : memref<10000x16xbf16, #tpu.memory_space<hbm>> -> memref<10000x16xbf16, #tpu.memory_space<hbm>>
        tpu.enqueue_indirect_dma source(%dma_start3A_586 : memref<10000x16xbf16, #tpu.memory_space<hbm>>) target(%arg10 : memref<128x16xbf16, #tpu.memory_space<vmem>>) offsets(%dma_start3A_583 : memref<128xi32, #tpu.memory_space<vmem>>) semaphore(%arg20 : memref<!tpu.dma_semaphore, #tpu.memory_space<semaphore_mem>>)
      } else {
      }
      %mul3A_495 = arith.constant 6 : i32
      %mul3A_496 = arith.muli %mul3A_495, %scan3A_78 : i32
      %add3A_497 = arith.constant 5 : i32
      %add3A_498 = arith.addi %mul3A_496, %add3A_497 : i32
      %mul3A_499 = arith.constant 128 : i32
      %mul3A_500 = arith.muli %add3A_498, %mul3A_499 : i32
      %dma_wait3A_501 = tpu.memref_slice %arg7[%mul3A_500] : memref<10000xi32, #tpu.memory_space<vmem>> -> memref<128xi32, #tpu.memory_space<vmem>>
      %dma_wait3A_502 = arith.constant 0 : i32
      %dma_wait3A_503 = arith.constant 0 : i32
      %dma_wait3A_504 = tpu.memref_slice %arg2[%dma_wait3A_502, %dma_wait3A_503] : memref<10000x16xbf16, #tpu.memory_space<hbm>> -> memref<10000x16xbf16, #tpu.memory_space<hbm>>
      tpu.wait_indirect_dma semaphore(%arg24 : memref<!tpu.dma_semaphore, #tpu.memory_space<semaphore_mem>>) src(%dma_wait3A_504 : memref<10000x16xbf16, #tpu.memory_space<hbm>>) dst(%arg14 : memref<128x16xbf16, #tpu.memory_space<vmem>>)
      %mul3A_505 = arith.constant 128 : i32
      %mul3A_506 = arith.muli %add3A_498, %mul3A_505 : i32
      %add3A_507 = arith.constant 0 : i32
      %add3A_508 = arith.addi %mul3A_506, %add3A_507 : i32
      %add3A_509 = vector.broadcast %add3A_508 : i32 to vector<16xi32>
      %add3A_510 = arith.addi %iota3A, %add3A_509 : vector<16xi32>
      %gather3A_511 = tpu.vector_load_idx %arg7[%add3A_510] : memref<10000xi32, #tpu.memory_space<vmem>>[vector<16xi32>], vector<16xi32>,
      tpu.vector_store_idx %arg17[%gather3A_511], %broadcast_in_dim3A_26 {add = true} : memref<10240xf32, #tpu.memory_space<vmem>>[vector<16xi32>], vector<16xf32>,
      %mul3A_512 = arith.constant 128 : i32
      %mul3A_513 = arith.muli %add3A_498, %mul3A_512 : i32
      %add3A_514 = arith.constant 16 : i32
      %add3A_515 = arith.addi %mul3A_513, %add3A_514 : i32
      %add3A_516 = vector.broadcast %add3A_515 : i32 to vector<16xi32>
      %add3A_517 = arith.addi %iota3A, %add3A_516 : vector<16xi32>
      %gather3A_518 = tpu.vector_load_idx %arg7[%add3A_517] : memref<10000xi32, #tpu.memory_space<vmem>>[vector<16xi32>], vector<16xi32>,
      tpu.vector_store_idx %arg17[%gather3A_518], %broadcast_in_dim3A_26 {add = true} : memref<10240xf32, #tpu.memory_space<vmem>>[vector<16xi32>], vector<16xf32>,
      %mul3A_519 = arith.constant 128 : i32
      %mul3A_520 = arith.muli %add3A_498, %mul3A_519 : i32
      %add3A_521 = arith.constant 32 : i32
      %add3A_522 = arith.addi %mul3A_520, %add3A_521 : i32
      %add3A_523 = vector.broadcast %add3A_522 : i32 to vector<16xi32>
      %add3A_524 = arith.addi %iota3A, %add3A_523 : vector<16xi32>
      %gather3A_525 = tpu.vector_load_idx %arg7[%add3A_524] : memref<10000xi32, #tpu.memory_space<vmem>>[vector<16xi32>], vector<16xi32>,
      tpu.vector_store_idx %arg17[%gather3A_525], %broadcast_in_dim3A_26 {add = true} : memref<10240xf32, #tpu.memory_space<vmem>>[vector<16xi32>], vector<16xf32>,
      %mul3A_526 = arith.constant 128 : i32
      %mul3A_527 = arith.muli %add3A_498, %mul3A_526 : i32
      %add3A_528 = arith.constant 48 : i32
      %add3A_529 = arith.addi %mul3A_527, %add3A_528 : i32
      %add3A_530 = vector.broadcast %add3A_529 : i32 to vector<16xi32>
      %add3A_531 = arith.addi %iota3A, %add3A_530 : vector<16xi32>
      %gather3A_532 = tpu.vector_load_idx %arg7[%add3A_531] : memref<10000xi32, #tpu.memory_space<vmem>>[vector<16xi32>], vector<16xi32>,
      tpu.vector_store_idx %arg17[%gather3A_532], %broadcast_in_dim3A_26 {add = true} : memref<10240xf32, #tpu.memory_space<vmem>>[vector<16xi32>], vector<16xf32>,
      %mul3A_533 = arith.constant 128 : i32
      %mul3A_534 = arith.muli %add3A_498, %mul3A_533 : i32
      %add3A_535 = arith.constant 64 : i32
      %add3A_536 = arith.addi %mul3A_534, %add3A_535 : i32
      %add3A_537 = vector.broadcast %add3A_536 : i32 to vector<16xi32>
      %add3A_538 = arith.addi %iota3A, %add3A_537 : vector<16xi32>
      %gather3A_539 = tpu.vector_load_idx %arg7[%add3A_538] : memref<10000xi32, #tpu.memory_space<vmem>>[vector<16xi32>], vector<16xi32>,
      tpu.vector_store_idx %arg17[%gather3A_539], %broadcast_in_dim3A_26 {add = true} : memref<10240xf32, #tpu.memory_space<vmem>>[vector<16xi32>], vector<16xf32>,
      %mul3A_540 = arith.constant 128 : i32
      %mul3A_541 = arith.muli %add3A_498, %mul3A_540 : i32
      %add3A_542 = arith.constant 80 : i32
      %add3A_543 = arith.addi %mul3A_541, %add3A_542 : i32
      %add3A_544 = vector.broadcast %add3A_543 : i32 to vector<16xi32>
      %add3A_545 = arith.addi %iota3A, %add3A_544 : vector<16xi32>
      %gather3A_546 = tpu.vector_load_idx %arg7[%add3A_545] : memref<10000xi32, #tpu.memory_space<vmem>>[vector<16xi32>], vector<16xi32>,
      tpu.vector_store_idx %arg17[%gather3A_546], %broadcast_in_dim3A_26 {add = true} : memref<10240xf32, #tpu.memory_space<vmem>>[vector<16xi32>], vector<16xf32>,
      %mul3A_547 = arith.constant 128 : i32
      %mul3A_548 = arith.muli %add3A_498, %mul3A_547 : i32
      %add3A_549 = arith.constant 96 : i32
      %add3A_550 = arith.addi %mul3A_548, %add3A_549 : i32
      %add3A_551 = vector.broadcast %add3A_550 : i32 to vector<16xi32>
      %add3A_552 = arith.addi %iota3A, %add3A_551 : vector<16xi32>
      %gather3A_553 = tpu.vector_load_idx %arg7[%add3A_552] : memref<10000xi32, #tpu.memory_space<vmem>>[vector<16xi32>], vector<16xi32>,
      tpu.vector_store_idx %arg17[%gather3A_553], %broadcast_in_dim3A_26 {add = true} : memref<10240xf32, #tpu.memory_space<vmem>>[vector<16xi32>], vector<16xf32>,
      %mul3A_554 = arith.constant 128 : i32
      %mul3A_555 = arith.muli %add3A_498, %mul3A_554 : i32
      %add3A_556 = arith.constant 112 : i32
      %add3A_557 = arith.addi %mul3A_555, %add3A_556 : i32
      %add3A_558 = vector.broadcast %add3A_557 : i32 to vector<16xi32>
      %add3A_559 = arith.addi %iota3A, %add3A_558 : vector<16xi32>
      %gather3A_560 = tpu.vector_load_idx %arg7[%add3A_559] : memref<10000xi32, #tpu.memory_space<vmem>>[vector<16xi32>], vector<16xi32>,
      tpu.vector_store_idx %arg17[%gather3A_560], %broadcast_in_dim3A_26 {add = true} : memref<10240xf32, #tpu.memory_space<vmem>>[vector<16xi32>], vector<16xf32>,
      %mul3A_561 = arith.constant 128 : i32
      %mul3A_562 = arith.muli %add3A_498, %mul3A_561 : i32
      %dma_start3A_563 = tpu.memref_slice %arg8[%mul3A_562] : memref<10000xi32, #tpu.memory_space<vmem>> -> memref<128xi32, #tpu.memory_space<vmem>>
      %dma_start3A_564 = arith.constant 0 : i32
      %dma_start3A_565 = arith.constant 0 : i32
      %dma_start3A_566 = tpu.memref_slice %arg18[%dma_start3A_564, %dma_start3A_565] : memref<10240x16xbf16, #tpu.memory_space<vmem_shared>> -> memref<10240x16xbf16, #tpu.memory_space<vmem_shared>>
      tpu.enqueue_indirect_dma source(%arg14 : memref<128x16xbf16, #tpu.memory_space<vmem>>) target(%dma_start3A_566 : memref<10240x16xbf16, #tpu.memory_space<vmem_shared>>) offsets(%dma_start3A_563 : memref<128xi32, #tpu.memory_space<vmem>>) semaphore(%arg30 : memref<!tpu.dma_semaphore, #tpu.memory_space<semaphore_mem>>) {add = true}
      %ge3A_567 = arith.constant 3 : i32
      %ge3A_568 = arith.cmpi sge, %add3A_498, %ge3A_567 : i32
      %convert_element_type3A_569 = arith.extui %ge3A_568 : i1 to i32
      %cond3A_570 = arith.constant 0 : i32
      %cond3A_571 = arith.cmpi ne, %convert_element_type3A_569, %cond3A_570 : i32
      scf.if %cond3A_571 {
        %sub3A = arith.constant 3 : i32
        %sub3A_579 = arith.subi %add3A_498, %sub3A : i32
        %mul3A_580 = arith.constant 128 : i32
        %mul3A_581 = arith.muli %sub3A_579, %mul3A_580 : i32
        %dma_wait3A_582 = tpu.memref_slice %arg8[%mul3A_581] : memref<10000xi32, #tpu.memory_space<vmem>> -> memref<128xi32, #tpu.memory_space<vmem>>
        %dma_wait3A_583 = arith.constant 0 : i32
        %dma_wait3A_584 = arith.constant 0 : i32
        %dma_wait3A_585 = tpu.memref_slice %arg18[%dma_wait3A_583, %dma_wait3A_584] : memref<10240x16xbf16, #tpu.memory_space<vmem_shared>> -> memref<10240x16xbf16, #tpu.memory_space<vmem_shared>>
        tpu.wait_indirect_dma semaphore(%arg27 : memref<!tpu.dma_semaphore, #tpu.memory_space<semaphore_mem>>) src(%arg11 : memref<128x16xbf16, #tpu.memory_space<vmem>>) dst(%dma_wait3A_585 : memref<10240x16xbf16, #tpu.memory_space<vmem_shared>>)
      } else {
      }
      %add3A_572 = arith.constant 3 : i32
      %add3A_573 = arith.addi %add3A_498, %add3A_572 : i32
      %lt3A_574 = arith.constant 78 : i32
      %lt3A_575 = arith.cmpi slt, %add3A_573, %lt3A_574 : i32
      %convert_element_type3A_576 = arith.extui %lt3A_575 : i1 to i32
      %cond3A_577 = arith.constant 0 : i32
      %cond3A_578 = arith.cmpi ne, %convert_element_type3A_576, %cond3A_577 : i32
      scf.if %cond3A_578 {
        %add3A_579 = arith.constant 3 : i32
        %add3A_580 = arith.addi %add3A_498, %add3A_579 : i32
        %mul3A_581 = arith.constant 128 : i32
        %mul3A_582 = arith.muli %add3A_580, %mul3A_581 : i32
        %dma_start3A_583 = tpu.memref_slice %arg7[%mul3A_582] : memref<10000xi32, #tpu.memory_space<vmem>> -> memref<128xi32, #tpu.memory_space<vmem>>
        %dma_start3A_584 = arith.constant 0 : i32
        %dma_start3A_585 = arith.constant 0 : i32
        %dma_start3A_586 = tpu.memref_slice %arg2[%dma_start3A_584, %dma_start3A_585] : memref<10000x16xbf16, #tpu.memory_space<hbm>> -> memref<10000x16xbf16, #tpu.memory_space<hbm>>
        tpu.enqueue_indirect_dma source(%dma_start3A_586 : memref<10000x16xbf16, #tpu.memory_space<hbm>>) target(%arg11 : memref<128x16xbf16, #tpu.memory_space<vmem>>) offsets(%dma_start3A_583 : memref<128xi32, #tpu.memory_space<vmem>>) semaphore(%arg21 : memref<!tpu.dma_semaphore, #tpu.memory_space<semaphore_mem>>)
      } else {
      }
    }
    %scan3A_46 = arith.constant 13 : i32
    %dma_wait3A = arith.constant 9600 : i32
    %dma_wait3A_47 = tpu.memref_slice %arg8[%dma_wait3A] : memref<10000xi32, #tpu.memory_space<vmem>> -> memref<128xi32, #tpu.memory_space<vmem>>
    %dma_wait3A_48 = arith.constant 0 : i32
    %dma_wait3A_49 = arith.constant 0 : i32
    %dma_wait3A_50 = tpu.memref_slice %arg18[%dma_wait3A_48, %dma_wait3A_49] : memref<10240x16xbf16, #tpu.memory_space<vmem_shared>> -> memref<10240x16xbf16, #tpu.memory_space<vmem_shared>>
    tpu.wait_indirect_dma semaphore(%arg28 : memref<!tpu.dma_semaphore, #tpu.memory_space<semaphore_mem>>) src(%arg12 : memref<128x16xbf16, #tpu.memory_space<vmem>>) dst(%dma_wait3A_50 : memref<10240x16xbf16, #tpu.memory_space<vmem_shared>>)
    %dma_wait3A_51 = arith.constant 9728 : i32
    %dma_wait3A_52 = tpu.memref_slice %arg8[%dma_wait3A_51] : memref<10000xi32, #tpu.memory_space<vmem>> -> memref<128xi32, #tpu.memory_space<vmem>>
    %dma_wait3A_53 = arith.constant 0 : i32
    %dma_wait3A_54 = arith.constant 0 : i32
    %dma_wait3A_55 = tpu.memref_slice %arg18[%dma_wait3A_53, %dma_wait3A_54] : memref<10240x16xbf16, #tpu.memory_space<vmem_shared>> -> memref<10240x16xbf16, #tpu.memory_space<vmem_shared>>
    tpu.wait_indirect_dma semaphore(%arg29 : memref<!tpu.dma_semaphore, #tpu.memory_space<semaphore_mem>>) src(%arg13 : memref<128x16xbf16, #tpu.memory_space<vmem>>) dst(%dma_wait3A_55 : memref<10240x16xbf16, #tpu.memory_space<vmem_shared>>)
    %dma_wait3A_56 = arith.constant 9856 : i32
    %dma_wait3A_57 = tpu.memref_slice %arg8[%dma_wait3A_56] : memref<10000xi32, #tpu.memory_space<vmem>> -> memref<128xi32, #tpu.memory_space<vmem>>
    %dma_wait3A_58 = arith.constant 0 : i32
    %dma_wait3A_59 = arith.constant 0 : i32
    %dma_wait3A_60 = tpu.memref_slice %arg18[%dma_wait3A_58, %dma_wait3A_59] : memref<10240x16xbf16, #tpu.memory_space<vmem_shared>> -> memref<10240x16xbf16, #tpu.memory_space<vmem_shared>>
    tpu.wait_indirect_dma semaphore(%arg30 : memref<!tpu.dma_semaphore, #tpu.memory_space<semaphore_mem>>) src(%arg14 : memref<128x16xbf16, #tpu.memory_space<vmem>>) dst(%dma_wait3A_60 : memref<10240x16xbf16, #tpu.memory_space<vmem_shared>>)
    %dma_start3A_61 = arith.constant 9984 : i32
    %dma_start3A_62 = tpu.memref_slice %arg7[%dma_start3A_61] : memref<10000xi32, #tpu.memory_space<vmem>> -> memref<16xi32, #tpu.memory_space<vmem>>
    %dma_start3A_63 = arith.constant 0 : i32
    %dma_start3A_64 = arith.constant 0 : i32
    %dma_start3A_65 = tpu.memref_slice %arg2[%dma_start3A_63, %dma_start3A_64] : memref<10000x16xbf16, #tpu.memory_space<hbm>> -> memref<10000x16xbf16, #tpu.memory_space<hbm>>
    tpu.enqueue_indirect_dma source(%dma_start3A_65 : memref<10000x16xbf16, #tpu.memory_space<hbm>>) target(%arg15 : memref<16x16xbf16, #tpu.memory_space<vmem>>) offsets(%dma_start3A_62 : memref<16xi32, #tpu.memory_space<vmem>>) semaphore(%arg19 : memref<!tpu.dma_semaphore, #tpu.memory_space<semaphore_mem>>)
    %dma_wait3A_66 = arith.constant 9984 : i32
    %dma_wait3A_67 = tpu.memref_slice %arg7[%dma_wait3A_66] : memref<10000xi32, #tpu.memory_space<vmem>> -> memref<16xi32, #tpu.memory_space<vmem>>
    %dma_wait3A_68 = arith.constant 0 : i32
    %dma_wait3A_69 = arith.constant 0 : i32
    %dma_wait3A_70 = tpu.memref_slice %arg2[%dma_wait3A_68, %dma_wait3A_69] : memref<10000x16xbf16, #tpu.memory_space<hbm>> -> memref<10000x16xbf16, #tpu.memory_space<hbm>>
    tpu.wait_indirect_dma semaphore(%arg19 : memref<!tpu.dma_semaphore, #tpu.memory_space<semaphore_mem>>) src(%dma_wait3A_70 : memref<10000x16xbf16, #tpu.memory_space<hbm>>) dst(%arg15 : memref<16x16xbf16, #tpu.memory_space<vmem>>)
    %add3A_71 = arith.constant 9984 : i32
    %add3A_72 = vector.broadcast %add3A_71 : i32 to vector<16xi32>
    %add3A_73 = arith.addi %iota3A, %add3A_72 : vector<16xi32>
    %gather3A = tpu.vector_load_idx %arg7[%add3A_73] : memref<10000xi32, #tpu.memory_space<vmem>>[vector<16xi32>], vector<16xi32>,
    tpu.vector_store_idx %arg17[%gather3A], %broadcast_in_dim3A_26 {add = true} : memref<10240xf32, #tpu.memory_space<vmem>>[vector<16xi32>], vector<16xf32>,
    "tpu.region"() ({
      %run_scoped3A = tpu.sem_alloc : memref<!tpu.dma_semaphore, #tpu.memory_space<semaphore_mem>>
      %dma_start3A_78 = arith.constant 9984 : i32
      %dma_start3A_79 = tpu.memref_slice %arg8[%dma_start3A_78] : memref<10000xi32, #tpu.memory_space<vmem>> -> memref<16xi32, #tpu.memory_space<vmem>>
      %dma_start3A_80 = arith.constant 0 : i32
      %dma_start3A_81 = arith.constant 0 : i32
      %dma_start3A_82 = tpu.memref_slice %arg18[%dma_start3A_80, %dma_start3A_81] : memref<10240x16xbf16, #tpu.memory_space<vmem_shared>> -> memref<10240x16xbf16, #tpu.memory_space<vmem_shared>>
      tpu.enqueue_indirect_dma source(%arg15 : memref<16x16xbf16, #tpu.memory_space<vmem>>) target(%dma_start3A_82 : memref<10240x16xbf16, #tpu.memory_space<vmem_shared>>) offsets(%dma_start3A_79 : memref<16xi32, #tpu.memory_space<vmem>>) semaphore(%run_scoped3A : memref<!tpu.dma_semaphore, #tpu.memory_space<semaphore_mem>>) {add = true}
      %dma_wait3A_83 = arith.constant 9984 : i32
      %dma_wait3A_84 = tpu.memref_slice %arg8[%dma_wait3A_83] : memref<10000xi32, #tpu.memory_space<vmem>> -> memref<16xi32, #tpu.memory_space<vmem>>
      %dma_wait3A_85 = arith.constant 0 : i32
      %dma_wait3A_86 = arith.constant 0 : i32
      %dma_wait3A_87 = tpu.memref_slice %arg18[%dma_wait3A_85, %dma_wait3A_86] : memref<10240x16xbf16, #tpu.memory_space<vmem_shared>> -> memref<10240x16xbf16, #tpu.memory_space<vmem_shared>>
      tpu.wait_indirect_dma semaphore(%run_scoped3A : memref<!tpu.dma_semaphore, #tpu.memory_space<semaphore_mem>>) src(%arg15 : memref<16x16xbf16, #tpu.memory_space<vmem>>) dst(%dma_wait3A_87 : memref<10240x16xbf16, #tpu.memory_space<vmem_shared>>)
      tpu.yield
    }) : () -> ()
    %barrier3A_74 = arith.constant 0 : index
    tpu.barrier barrier_id(%barrier3A_74)
    %mul3A_75 = arith.constant 10240 : i32
    %mul3A_76 = arith.muli %arg0, %mul3A_75 : i32
    %add3A_77 = arith.addi %mul3A_76, %mul3A_11 : i32
    "tpu.region"() ({
      %run_scoped3A = tpu.sem_alloc : memref<!tpu.dma_semaphore, #tpu.memory_space<semaphore_mem>>
      %dma_start3A_78 = arith.constant 0 : i32
      %dma_start3A_79 = tpu.memref_slice %arg5[%add3A_77, %dma_start3A_78] : memref<20480x16xbf16, #tpu.memory_space<hbm>> -> memref<640x16xbf16, #tpu.memory_space<hbm>>
      %dma_start3A_80 = arith.constant 0 : i32
      %dma_start3A_81 = tpu.memref_slice %arg18[%mul3A_11, %dma_start3A_80] : memref<10240x16xbf16, #tpu.memory_space<vmem_shared>> -> memref<640x16xbf16, #tpu.memory_space<vmem_shared>>
      tpu.enqueue_dma source(%dma_start3A_81 : memref<640x16xbf16, #tpu.memory_space<vmem_shared>>) target(%dma_start3A_79 : memref<640x16xbf16, #tpu.memory_space<hbm>>) target_semaphore(%run_scoped3A : memref<!tpu.dma_semaphore, #tpu.memory_space<semaphore_mem>>)
      %dma_wait3A_82 = arith.constant 0 : i32
      %dma_wait3A_83 = tpu.memref_slice %arg5[%add3A_77, %dma_wait3A_82] : memref<20480x16xbf16, #tpu.memory_space<hbm>> -> memref<640x16xbf16, #tpu.memory_space<hbm>>
      %dma_wait3A_84 = arith.constant 0 : i32
      %dma_wait3A_85 = tpu.memref_slice %arg18[%mul3A_11, %dma_wait3A_84] : memref<10240x16xbf16, #tpu.memory_space<vmem_shared>> -> memref<640x16xbf16, #tpu.memory_space<vmem_shared>>
      tpu.wait_dma2 semaphore(%run_scoped3A : memref<!tpu.dma_semaphore, #tpu.memory_space<semaphore_mem>>) src(%dma_wait3A_85 : memref<640x16xbf16, #tpu.memory_space<vmem_shared>>) dst(%dma_wait3A_83 : memref<640x16xbf16, #tpu.memory_space<hbm>>)
      tpu.yield
    }) : () -> ()
    "tpu.region"() ({
      %run_scoped3A = tpu.sem_alloc : memref<!tpu.dma_semaphore, #tpu.memory_space<semaphore_mem>>
      %dma_start3A_78 = arith.constant 0 : i32
      %dma_start3A_79 = tpu.memref_slice %arg6[%add3A_23, %dma_start3A_78] : memref<32x10240xf32, #tpu.memory_space<hbm>> -> memref<1x10240xf32, #tpu.memory_space<hbm>>
      %dma_start3A_80 = tpu.memref_squeeze %dma_start3A_79 : memref<1x10240xf32, #tpu.memory_space<hbm>> -> memref<10240xf32, #tpu.memory_space<hbm>>
      %dma_start3A_81 = arith.constant 0 : i32
      %dma_start3A_82 = tpu.memref_slice %arg6[%add3A_23, %dma_start3A_81] : memref<32x10240xf32, #tpu.memory_space<hbm>> -> memref<1x10240xf32, #tpu.memory_space<hbm>>
      %dma_start3A_83 = tpu.memref_squeeze %dma_start3A_82 : memref<1x10240xf32, #tpu.memory_space<hbm>> -> memref<10240xf32, #tpu.memory_space<hbm>>
      tpu.enqueue_dma source(%arg17 : memref<10240xf32, #tpu.memory_space<vmem>>) target(%dma_start3A_83 : memref<10240xf32, #tpu.memory_space<hbm>>) target_semaphore(%run_scoped3A : memref<!tpu.dma_semaphore, #tpu.memory_space<semaphore_mem>>)
      %dma_wait3A_84 = arith.constant 0 : i32
      %dma_wait3A_85 = tpu.memref_slice %arg6[%add3A_23, %dma_wait3A_84] : memref<32x10240xf32, #tpu.memory_space<hbm>> -> memref<1x10240xf32, #tpu.memory_space<hbm>>
      %dma_wait3A_86 = tpu.memref_squeeze %dma_wait3A_85 : memref<1x10240xf32, #tpu.memory_space<hbm>> -> memref<10240xf32, #tpu.memory_space<hbm>>
      %dma_wait3A_87 = arith.constant 0 : i32
      %dma_wait3A_88 = tpu.memref_slice %arg6[%add3A_23, %dma_wait3A_87] : memref<32x10240xf32, #tpu.memory_space<hbm>> -> memref<1x10240xf32, #tpu.memory_space<hbm>>
      %dma_wait3A_89 = tpu.memref_squeeze %dma_wait3A_88 : memref<1x10240xf32, #tpu.memory_space<hbm>> -> memref<10240xf32, #tpu.memory_space<hbm>>
      tpu.wait_dma2 semaphore(%run_scoped3A : memref<!tpu.dma_semaphore, #tpu.memory_space<semaphore_mem>>) src(%arg17 : memref<10240xf32, #tpu.memory_space<vmem>>) dst(%dma_wait3A_89 : memref<10240xf32, #tpu.memory_space<hbm>>)
      tpu.yield
    }) : () -> ()
    return
  }
}

module attributes {stable_mosaic.version = 14 : i64} {
  func.func @_mm_body(%arg0: i32, %arg1: memref<1000x128xf32, #tpu.memory_space<vmem>>, %arg2: memref<128x16xf32, #tpu.memory_space<vmem>>, %arg3: memref<1000x16xbf16, #tpu.memory_space<vmem>>) attributes {dimension_semantics = [#tpu.dimension_semantics<arbitrary>], iteration_bounds = array<i64: 10>, scalar_prefetch = 0 : i64, scratch_operands = 0 : i64, tpu.core_type = #tpu.core_type<tc>, window_params = [{transform_indices = @transform_0, window_bounds = array<i64: 1000, 128>}, {pipeline_mode = #tpu.pipeline_mode<synchronous>, transform_indices = @transform_1, window_bounds = array<i64: 128, 16>}, {transform_indices = @transform_2, window_bounds = array<i64: 1000, 16>}]} {
    %get3A = arith.constant 0 : index
    %get3A_0 = arith.constant 0 : index
    %get3A_1 = vector.load %arg1[%get3A, %get3A_0] : memref<1000x128xf32, #tpu.memory_space<vmem>>, vector<1000x128xf32>
    %get3A_2 = arith.constant 0 : index
    %get3A_3 = arith.constant 0 : index
    %get3A_4 = vector.load %arg2[%get3A_2, %get3A_3] : memref<128x16xf32, #tpu.memory_space<vmem>>, vector<128x16xf32>
    %dot_general3A = arith.constant dense<0.000000e+00> : vector<1000x16xf32>
    %dot_general3A_5 = tpu.matmul %get3A_1, %get3A_4, %dot_general3A {dimension_numbers = #tpu.dot_dimension_numbers<[1], [0], [0], [1], [0, 0, 1, 1], [], []>, transpose_lhs_hint = false} : vector<1000x128xf32>, vector<128x16xf32>, vector<1000x16xf32> -> vector<1000x16xf32>
    %convert_element_type3A = arith.truncf %dot_general3A_5 : vector<1000x16xf32> to vector<1000x16xbf16>
    %swap3A = arith.constant 0 : index
    %swap3A_6 = arith.constant 0 : index
    %swap3A_7 = vector.load %arg3[%swap3A, %swap3A_6] : memref<1000x16xbf16, #tpu.memory_space<vmem>>, vector<1000x16xbf16>
    tpu.vector_store %arg3[%swap3A, %swap3A_6], %convert_element_type3A {strides = array<i32>} : memref<1000x16xbf16, #tpu.memory_space<vmem>>, vector<1000x16xbf16>,
    return
  }
  func.func @transform_0(%arg0: i32) -> (i32, i32) {
    %c0_i32 = arith.constant 0 : i32
    %c0_i32_0 = arith.constant 0 : i32
    return %arg0, %c0_i32 : i32, i32
  }
  func.func @transform_1(%arg0: i32) -> (i32, i32) {
    %c0_i32 = arith.constant 0 : i32
    %c0_i32_0 = arith.constant 0 : i32
    %c0_i32_1 = arith.constant 0 : i32
    return %c0_i32, %c0_i32_0 : i32, i32
  }
  func.func @transform_2(%arg0: i32) -> (i32, i32) {
    %c0_i32 = arith.constant 0 : i32
    %c0_i32_0 = arith.constant 0 : i32
    return %arg0, %c0_i32 : i32, i32
  }
}

module attributes {stable_mosaic.version = 14 : i64} {
  func.func @_final_body(%arg0: memref<20480x16xbf16, #tpu.memory_space<vmem>>, %arg1: memref<32x10240xf32, #tpu.memory_space<vmem>>, %arg2: memref<16x16xf32, #tpu.memory_space<vmem>>, %arg3: memref<16x16xf32, #tpu.memory_space<vmem>>, %arg4: memref<1x16xf32, #tpu.memory_space<vmem>>) attributes {dimension_semantics = [], scalar_prefetch = 0 : i64, scratch_operands = 0 : i64, tpu.core_type = #tpu.core_type<tc>} {
    %get3A = arith.constant 0 : index
    %get3A_0 = arith.constant 0 : index
    %get3A_1 = vector.load %arg0[%get3A, %get3A_0] : memref<20480x16xbf16, #tpu.memory_space<vmem>>, vector<10240x16xbf16>
    %convert_element_type3A = arith.extf %get3A_1 : vector<10240x16xbf16> to vector<10240x16xf32>
    %get3A_2 = arith.constant 10240 : index
    %get3A_3 = arith.constant 0 : index
    %get3A_4 = vector.load %arg0[%get3A_2, %get3A_3] : memref<20480x16xbf16, #tpu.memory_space<vmem>>, vector<10240x16xbf16>
    %convert_element_type3A_5 = arith.extf %get3A_4 : vector<10240x16xbf16> to vector<10240x16xf32>
    %add3A = arith.addf %convert_element_type3A, %convert_element_type3A_5 : vector<10240x16xf32>
    %get3A_6 = arith.constant 0 : index
    %get3A_7 = arith.constant 0 : index
    %get3A_8 = vector.load %arg1[%get3A_6, %get3A_7] : memref<32x10240xf32, #tpu.memory_space<vmem>>, vector<32x10240xf32>
    %reduce_sum3A = arith.constant dense<0.000000e+00> : vector<10240xf32>
    %reduce_sum3A_9 = vector.multi_reduction <add>, %get3A_8, %reduce_sum3A [0] : vector<32x10240xf32> to vector<10240xf32>
    %broadcast_in_dim3A = vector.shape_cast %reduce_sum3A_9 : vector<10240xf32> to vector<1x10240xf32>
    %max3A = arith.constant 0.000000e+00 : f32
    %max3A_10 = vector.broadcast %max3A : f32 to vector<10240x16xf32>
    %max3A_11 = arith.maximumf %add3A, %max3A_10 : vector<10240x16xf32>
    %dot_general3A = arith.constant dense<0.000000e+00> : vector<1x16xf32>
    %dot_general3A_12 = tpu.matmul %broadcast_in_dim3A, %max3A_11, %dot_general3A {dimension_numbers = #tpu.dot_dimension_numbers<[1], [0], [0], [1], [0, 0, 1, 1], [], []>, transpose_lhs_hint = false} : vector<1x10240xf32>, vector<10240x16xf32>, vector<1x16xf32> -> vector<1x16xf32>
    %mul3A = arith.constant 9.99999974E-5 : f32
    %mul3A_13 = vector.broadcast %mul3A : f32 to vector<1x16xf32>
    %mul3A_14 = arith.mulf %dot_general3A_12, %mul3A_13 : vector<1x16xf32>
    %get3A_15 = arith.constant 0 : index
    %get3A_16 = arith.constant 0 : index
    %get3A_17 = vector.load %arg2[%get3A_15, %get3A_16] : memref<16x16xf32, #tpu.memory_space<vmem>>, vector<16x16xf32>
    %dot_general3A_18 = arith.constant dense<0.000000e+00> : vector<1x16xf32>
    %dot_general3A_19 = tpu.matmul %mul3A_14, %get3A_17, %dot_general3A_18 {dimension_numbers = #tpu.dot_dimension_numbers<[1], [0], [0], [1], [0, 0, 1, 1], [], []>, transpose_lhs_hint = false} : vector<1x16xf32>, vector<16x16xf32>, vector<1x16xf32> -> vector<1x16xf32>
    %get3A_20 = arith.constant 0 : index
    %get3A_21 = arith.constant 0 : index
    %get3A_22 = vector.load %arg3[%get3A_20, %get3A_21] : memref<16x16xf32, #tpu.memory_space<vmem>>, vector<16x16xf32>
    %dot_general3A_23 = arith.constant dense<0.000000e+00> : vector<1x16xf32>
    %dot_general3A_24 = tpu.matmul %dot_general3A_19, %get3A_22, %dot_general3A_23 {dimension_numbers = #tpu.dot_dimension_numbers<[1], [0], [0], [1], [0, 0, 1, 1], [], []>, transpose_lhs_hint = false} : vector<1x16xf32>, vector<16x16xf32>, vector<1x16xf32> -> vector<1x16xf32>
    %neg3A = arith.constant 0.000000e+00 : f32
    %neg3A_25 = vector.broadcast %neg3A : f32 to vector<1x16xf32>
    %neg3A_26 = arith.subf %neg3A_25, %dot_general3A_24 : vector<1x16xf32>
    %exp3A = math.exp %neg3A_26 : vector<1x16xf32>
    %add3A_27 = arith.constant 1.000000e+00 : f32
    %add3A_28 = vector.broadcast %add3A_27 : f32 to vector<1x16xf32>
    %add3A_29 = arith.addf %add3A_28, %exp3A : vector<1x16xf32>
    %div3A = arith.constant 1.000000e+00 : f32
    %div3A_30 = vector.broadcast %div3A : f32 to vector<1x16xf32>
    %div3A_31 = arith.divf %div3A_30, %add3A_29 : vector<1x16xf32>
    %swap3A = arith.constant 0 : index
    %swap3A_32 = arith.constant 0 : index
    %swap3A_33 = vector.load %arg4[%swap3A, %swap3A_32] : memref<1x16xf32, #tpu.memory_space<vmem>>, vector<1x16xf32>
    tpu.vector_store %arg4[%swap3A, %swap3A_32], %div3A_31 {strides = array<i32>} : memref<1x16xf32, #tpu.memory_space<vmem>>, vector<1x16xf32>,
    return
  }
}

</mosaic_0001>

<sc_bundles>
// kernel: kernel.5.cloned.1.call-start
scs
__scs_entry_jumppad:
0x0: {  	(pc) =	sbr.rel $0x88, $3  }
0x1: {  	(tag) =	ssettag $0x0;
	lr =	simm.s32 $0x1  }
0x2: {  	[smem:$0x3F9C] =	sst lr;
	_ =	strace $0xD0000000  }
0x3: {  	_ = 	snop  }
0x4: {  	_ = 	snop  }
0x5: {  	_ = 	snop  }
0x6: {  	_ = 	snop  }
0x7: {  	_ = 	snop  }
__scs_overlays_trampoline_lowered:
0x8: {  	[smem:$0x3FAB] =	sst s0  }
0x9: {  	[smem:$0x3FAC] =	sst s1  }
0xa: {  	[smem:$0x3FAD] =	sst s2  }
0xb: {  	[smem:$0x3FAE] =	sst s3  }
0xc: {  	[smem:$0x3FAF] =	sst s4  }
0xd: {  	[smem:$0x3FB0] =	sst s5  }
0xe: {  	[smem:$0x3FB1] =	sst s6  }
0xf: {  	[smem:$0x3FB2] =	sst s7  }
0x10: {  	[smem:$0x3FB3] =	sst s8  }
0x11: {  	[smem:$0x3FB4] =	sst s9;
	s0 =	simm.s32 @!p0 $0x0  }
0x12: {  	s1 =	sld [smem:$0x3F9A];
	s0 =	simm.s32 @p0 $0x1  }
0x13: {  	[smem:$0x3FB5] =	sst s0;
	s0 =	simm.s32 @!p1 $0x0  }
0x14: {  	s2 =	sld [smem:$0x3F99];
	s0 =	simm.s32 @p1 $0x1  }
0x15: {  	[smem:$0x3FB6] =	sst s0;
	s0 =	simm.s32 @!p2 $0x0  }
0x16: {  	s3 =	sld [smem:$0x3FDB];
	s0 =	simm.s32 @p2 $0x1  }
0x17: {  	s4 =	simm.s32 $0x1BF5;
	[smem:$0x3FB8] =	sst s0  }
0x18: {  	s0 =	sld [smem:$0x3F9B];
	_ =	swait.ge [sflag:s4], $0x0  }
0x19: {  	s7 =	sld [smem:$0x3F9C]  }
0x1a: {  	s8 =	sadd.s32 $0xFFFFE003, lr  }
0x1b: {  	s9 =	sadd.s32 $0xFFFFFEF7, lr;
	s5 =	simm.s32 $0xFFFFFFFF;
	p2 =	slt.u32 s8, $0xFFFFF086  }
0x1c: {  	p1 =	slt.u32 s9, $0xF7A;
	s5 =	simm.s32 @!p2 $0x0  }
0x1d: {  	s5 =	simm.s32 @p1 $0x1;
	p0 =	seq.s32 s7, s2  }
0x1e: {  	s7 =	smul.u32 @!p0 $0xF7A, s2;
	p2 =	seq.s32 @!p0 s5, $0x0  }
0x1f: {  	s9 =	smul.u32 $0xF7A, s1;
	s8 =	simm.s32 @!p0 $0x1BF5;
	p2 =	por !p2, p0  }
0x20: {  	[sflag:s8] =	ssyncset.s32 @!p0 $0xFFFFF086;
	s6 =	sadd.s32 @!p0 s3, s7;
	s7 =	simm.s32 @!p0 $0x108  }
0x21: {  	s3 =	sadd.s32 s3, s9;
	s6 =	sadd.s32 @!p0 $0x88, s6;
	s7 =	simm.s32 @p2 $0x1082  }
0x22: {  	[simem:s7], [sflag:s8] =	dma.local @!p0 [hbm:s6], $0xF7A  }
0x23: {  	s9 =	sor.u32 $0xD0000000, s2;
	s6 =	simm.s32 $0x108;
	_ =	swait.ge @!p0 [sflag:s8], $0x0  }
0x24: {  	s3 =	sadd.s32 $0x88, s3;
	s6 =	simm.s32 @!p1 $0x1082;
	[sflag:s4] =	ssyncset.s32 $0xFFFFF086  }
0x25: {  	[simem:s6], [sflag:s4] =	dma.local [hbm:s3], $0xF7A  }
0x26: {  	[smem:$0x3F9C] =	sst s1;
	(tag) =	ssettag s2;
	_ =	strace s9  }
0x27: {  	s1 =	sld [smem:$0x3FAC]  }
0x28: {  	s2 =	sld [smem:$0x3FAD]  }
0x29: {  	s4 =	sld [smem:$0x3FAF]  }
0x2a: {  	p0 =	seq.s32 s5, $0x0;
	s5 =	sld [smem:$0x3FB0]  }
0x2b: {  	s6 =	sld [smem:$0x3FB1]  }
0x2c: {  	s7 =	sld [smem:$0x3FB2]  }
0x2d: {  	s3 =	simm.s32 $0x108;
	s8 =	sld [smem:$0x3FB3]  }
0x2e: {  	s3 =	simm.s32 @!p0 $0x1082;
	s9 =	sld [smem:$0x3FB4]  }
0x2f: {  	lr =	sadd.s32 s0, s3;
	s0 =	sld [smem:$0x3FAB]  }
0x30: {  	s3 =	sld [smem:$0x3FAE]  }
0x31: {  	[smem:$0x3FB7] =	sst s10  }
0x32: {  	s10 =	sld [smem:$0x3FB5];
	_ =	sdelay $0x3  }
0x33: {  	p0 =	seq.s32 s10, $0x1;
	s10 =	sld [smem:$0x3FB7];
	_ =	sdelay $0x3  }
0x34: {  	[smem:$0x3FB7] =	sst s10  }
0x35: {  	s10 =	sld [smem:$0x3FB6];
	_ =	sdelay $0x3  }
0x36: {  	p1 =	seq.s32 s10, $0x1;
	s10 =	sld [smem:$0x3FB7];
	_ =	sdelay $0x3  }
0x37: {  	[smem:$0x3FB7] =	sst s10  }
0x38: {  	s10 =	sld [smem:$0x3FB8]  }
0x39: {  	_ = 	snop;
	(pc) =	sbr.ind lr, $3  }
0x3a: {  	_ = 	snop  }
0x3b: {  	_ = 	snop  }
0x3c: {  	p2 =	seq.s32 s10, $0x1;
	s10 =	sld [smem:$0x3FB7]  }
0x3d: {  	_ =	shalt  }
0x3e: {  	_ =	shalt  }
0x3f: {  	_ =	shalt  }
0x40: {  	_ =	shalt  }
0x41: {  	_ =	shalt  }
0x42: {  	_ =	shalt  }
0x43: {  	_ =	shalt  }
0x44: {  	_ =	shalt  }
0x45: {  	_ =	shalt  }
0x46: {  	_ =	shalt  }
0x47: {  	_ =	shalt  }
0x48: {  	_ =	shalt  }
0x49: {  	_ =	shalt  }
0x4a: {  	_ =	shalt  }
0x4b: {  	_ =	shalt  }
0x4c: {  	_ =	shalt  }
0x4d: {  	_ =	shalt  }
0x4e: {  	_ =	shalt  }
0x4f: {  	_ =	shalt  }
0x50: {  	_ =	shalt  }
0x51: {  	_ =	shalt  }
0x52: {  	_ =	shalt  }
0x53: {  	_ =	shalt  }
0x54: {  	_ =	shalt  }
0x55: {  	_ =	shalt  }
0x56: {  	_ =	shalt  }
0x57: {  	_ =	shalt  }
0x58: {  	_ =	shalt  }
0x59: {  	_ =	shalt  }
0x5a: {  	_ =	shalt  }
0x5b: {  	_ =	shalt  }
0x5c: {  	_ =	shalt  }
0x5d: {  	_ =	shalt  }
0x5e: {  	_ =	shalt  }
0x5f: {  	_ =	shalt  }
0x60: {  	_ =	shalt  }
0x61: {  	_ =	shalt  }
0x62: {  	_ =	shalt  }
0x63: {  	_ =	shalt  }
0x64: {  	_ =	shalt  }
0x65: {  	_ =	shalt  }
0x66: {  	_ =	shalt  }
0x67: {  	_ =	shalt  }
0x68: {  	_ =	shalt  }
0x69: {  	_ =	shalt  }
0x6a: {  	_ =	shalt  }
0x6b: {  	_ =	shalt  }
0x6c: {  	_ =	shalt  }
0x6d: {  	_ =	shalt  }
0x6e: {  	_ =	shalt  }
0x6f: {  	_ =	shalt  }
0x70: {  	_ =	shalt  }
0x71: {  	_ =	shalt  }
0x72: {  	_ =	shalt  }
0x73: {  	_ =	shalt  }
0x74: {  	_ =	shalt  }
0x75: {  	_ =	shalt  }
0x76: {  	_ =	shalt  }
0x77: {  	_ =	shalt  }
0x78: {  	_ =	shalt  }
0x79: {  	_ =	shalt  }
0x7a: {  	_ =	shalt  }
0x7b: {  	_ =	shalt  }
0x7c: {  	_ =	shalt  }
0x7d: {  	_ =	shalt  }
0x7e: {  	_ =	shalt  }
0x7f: {  	_ =	shalt  }
0x80: {  	_ =	shalt  }
0x81: {  	_ =	shalt  }
0x82: {  	_ =	shalt  }
0x83: {  	_ =	shalt  }
0x84: {  	_ =	shalt  }
0x85: {  	_ =	shalt  }
0x86: {  	_ =	shalt  }
0x87: {  	_ =	shalt  }
.Lfunc_end0:
.L_simem_size_0:
called_computation_lowered:
.L_overlay_start_0:
0x88: {  	s2 =	sld [smem:$0x3FD9]  }
0x89: {  	s3 =	sld [smem:$0x3FFE];
	_ =	sdelay $0x1  }
0x8a: {  	s1 =	srdreg.scid  }
0x8b: {  	s0 =	sand.u32 $0x1, s1  }
0x8c: {  	s16 =	sshll.u32 s0, $0xA;
	s2 =	sadd.s32 s3, s2  }
0x8d: {  	s2 =	sadd.s32 s2, s16  }
0x8e: {  	[smem:$0x3FC3] =	sst s2  }
0x8f: {  	_ = 	snop  }
0x90: {  	(tm) =	ssettm $0x1  }
0x91: {  	s17 =	sld [smem:$0x3FFB];
	_ =	sdelay $0x3  }
0x92: {  	_ =	strace s17  }
0x93: {  	s2 =	sld [smem:$0x3FFC];
	_ =	sdelay $0x3  }
0x94: {  	_ =	strace s2  }
0x95: {  	s2 =	sld [smem:$0x3FFD];
	_ =	sdelay $0x3  }
0x96: {  	_ =	strace s2  }
0x97: {  	_ =	strace $0x8FFFFFFF  }
0x98: {  	s18 =	sld [smem:$0x3FDB];
	_ =	sdelay $0x1  }
0x99: {  	s19 =	simm.s32 $_scs_section_size  }
0x9a: {  	s4 =	simm.s32 $_size__tile_overlayer_lowered;
	s5 =	simm.s32 $_tile_overlayer_lowered  }
0x9b: {  	s22 =	simm.s32 $0x1BFF;
	s21 =	sshll.u32 s5, $0x1;
	s2 =	sadd.s32 s19, s18  }
0x9c: {  	s6 =	simm.s32 $0x0;
	s20 =	sshll.u32 s4, $0x1;
	s4 =	sadd.s32 s21, s2  }
0x9d: {  	[timem:s6], [sflag:s22] =	dma.local [hbm:s4], s20  }
0x9e: {  	_ =	swait.ge [sflag:s22], s20  }
0x9f: {  	s3 =	ssub.s32 $0x0, s20;
	[sflag:s22] =	ssyncset.done $0x0  }
0xa0: {  	[sflag:s22] =	ssyncadd.s32 s3;
	_ =	sdelay $0x1  }
0xa1: {  	s23 =	simm.s32 $0x1B8B  }
0xa2: {  	_ =	swait.ge [sflag:s23], $0x1  }
0xa3: {  	[sflag:s23] =	ssyncset.done $0x0  }
0xa4: {  	s25 =	simm.s32 $0x1B8E;
	s24 =	sld [smem:$0x3FFE];
	[sflag:s23] =	ssyncadd.s32 $0xFFFFFFFF  }
0xa5: {  	s26 =	simm.s32 $execute0_lowered;
	[smem:$0x3FD2] =	sst s25  }
0xa6: {  	s4 =	sshll.u32 s26, $0x1;
	_ =	strace $0x80000046;
	[dreg:$0x1] =	wrdreg $0xFFFFFFFF  }
0xa7: {  	s28 =	simm.s32 $_size_execute0_lowered;
	s2 =	sadd.s32 s2, s4;
	[dreg:$0x0] =	wrdreg $0x0  }
0xa8: {  	s4 =	sshll.u32 s28, $0x1;
	[dreg:$0x2] =	wrdreg s2  }
0xa9: {  	[dreg:$0x3] =	wrdreg s4  }
0xaa: {  	[dreg:$0x4] =	wrdreg $0xC0  }
0xab: {  	_ =	task [dreg:s6], $0x5FFFF  }
0xac: {  	[dreg:$0x1] =	wrdreg $0xFFFFFFFF  }
0xad: {  	[dreg:$0x0] =	wrdreg $0x60  }
0xae: {  	[dreg:$0x2] =	wrdreg s24  }
0xaf: {  	[dreg:$0x3] =	wrdreg $0x92A00  }
0xb0: {  	[dreg:$0x4] =	wrdreg $0x9  }
0xb1: {  	_ =	task.clear_ibuf [dreg:s6], $0x5FFFF;
	_ =	strace $0x90000046  }
0xb2: {  	s29 =	simm.s32 $0x9;
	_ =	strace $0x80000048  }
0xb3: {  	_ =	swait.ge [sflag:s29], $0x1  }
0xb4: {  	[sflag:s29] =	ssyncadd.s32 $0xFFFFFFFF  }
0xb5: {  	_ =	strace $0x90000048  }
0xb6: {  	_ =	sfence  }
0xb7: {  	s30 =	sld [smem:$0x0];
	_ =	sdelay $0x2  }
0xb8: {  	s31 =	sshll.u32 s1, $0xD;
	s1 =	sshrl.u32 s1, $0x2  }
0xb9: {  	s3 =	sand.u32 $0x4000, s31;
	s1 =	sadd.s32 s1, s30  }
0xba: {  	s0 =	sor.u32 s3, s0;
	s1 =	sshll.u32 s1, $0x11  }
0xbb: {  	s0 =	sor.u32 s1, s0  }
0xbc: {  	s0 =	sadd.s32 $0x8F2B, s0  }
0xbd: {  	[sflag:s0] =	ssyncadd.remote.s32 $0x1  }
0xbe: {  	_ =	sfence.sel $0xFFFF  }
0xbf: {  	[dreg:$0x0] =	wrdreg $0xFFFFFFFF;
	(pc) =	sbr.abs _section_cstart, $3  }
0xc0: {  	[dreg:$0x1] =	wrdreg $0xFFFFFFFF  }
0xc1: {  	_ =	task.clear_ibuf [dreg:s6], $0x2FFFF;
	_ =	strace $0x9FFFFFFF  }
0xc2: {  	(tm) =	ssettm $0x7FFFFFFF  }
0xc3: {  	_ =	shalt  }
tec
execute0_lowered:
.L_overlay_start_1:
0x0: {  	(tag) =	ssettag $0x1  }
0x1: {  	s0 =	srdreg.scid;
	s5 =	rddreg [dreg:$0x0]  }
0x2: {  	s8 =	stileid.u32;
	s2 =	rddreg [dreg:$0x1]  }
0x3: {  	s3 =	simm.s32 $0x0;
	s15 =	simm.s32 $0x66A0;
	s16 =	simm.s32 $0xD  }
0x4: {  	s18 =	simm.s32 $0x80;
	s19 =	simm.s32 $0x4E20;
	s28 =	simm.s32 $0x5E20  }
0x5: {  	s29 =	simm.s32 $0x3;
	s0 =	sand.u32 $0x1, s0;
	s7 =	smul.u32 $0x280, s8  }
0x6: {  	s1 =	sshll.u32 s8, $0x1;
	[smem:$0x7FF] =	sst s3;
	s8 =	smul.u32 $0x5000, s8  }
0x7: {  	s1 =	sor.u32 s0, s1;
	s9 =	ssub.s32 $0x2, s0;
	s0 =	smul.u32 $0x2800, s0  }
0x8: {  	s4 =	sadd.s32 $0xA00, s5;
	_ =	strace $0x80000047;
	s6 =	smul.u32 $0x4E2, s1  }
0x9: {  	s1 =	smul.u32 $0x500, s1;
	s7 =	sadd.s32 s7, s5;
	s20 =	sshrl.u32 s9, $0x1  }
0xa: {  	s8 =	sshrl.u32 s8, $0x2;
	s9 =	ssub.s32 s9, s20;
	s0 =	sadd.s32 s0, s7  }
0xb: {  	s6 =	sadd.s32 s6, s5;
	s1 =	sadd.s32 s1, s5;
	s0 =	sadd.s32 $0x16E00, s0  }
0xc: {  	s5 =	sadd.s32 s8, s2;
	s26 =	smax.u32 s9, $0x1;
	[dreg:$0x9] =	wrdreg s0  }
0xd: {  	s30 =	simm.s32 $0x6220;
	s8 =	sadd.s32 $0x400, s5;
	[dreg:$0xb] =	wrdreg s26  }
0xe: {  	s31 =	simm.s32 $0x4;
	s21 =	sadd.s32 $0x800, s5;
	[dreg:$0x3] =	wrdreg s8  }
0xf: {  	s17 =	simm.s32 $0x5;
	s22 =	sadd.s32 $0xC00, s5;
	[dreg:$0x4] =	wrdreg s21  }
0x10: {  	s12 =	simm.s32 $0x0;
	s23 =	sadd.s32 $0x1000, s5;
	[dreg:$0x5] =	wrdreg s22  }
0x11: {  	s20 =	simm.s32 $0x5220;
	s24 =	sadd.s32 $0xD000, s6;
	[dreg:$0x6] =	wrdreg s23  }
.Ltmp0:
0x12: {  	s6 =	sadd.s32 $0x3200, s6;
	[dreg:$0x7] =	wrdreg s24;
	(pc) =	sbr.rel .LBB2_1-.Ltmp0, $4  }
0x13: {  	s25 =	sadd.s32 $0x1BE00, s1;
	s26 =	simm.s32 $0x2;
	[dreg:$0x8] =	wrdreg s6  }
0x14: {  	s1 =	simm.s32 $0x7;
	s0 =	simm.s32 $0x6;
	[dreg:$0xa] =	wrdreg s25  }
0x15: {  	v0 =	vimm.f32 $0.0e+00;
	v1 =	vlaneseq.u32;
	s22 =	simm.s32 $0x5620;
	s23 =	simm.s32 $0x1;
	s24 =	simm.s32 $0x6AA0  }
0x16: {  	v2 =	vimm.bf16 $0.0e+00;
	v3 =	vimm.f32 $1.000000000e+00;
	v4 =	vor.u32 $0x2700, v1;
	s25 =	simm.s32 $0x5A20;
	s21 =	simm.s32 $0x8;
	s6 =	simm.s32 $0x9  }
.LBB2_8:
0x17: {  	s7 =	simm.s32 $0xA  }
0x18: {  	_ =	swait.ge [sflag:s7], $0x400  }
0x19: {  	[sflag:s7] =	ssyncset.done $0x0  }
0x1a: {  	s10 =	simm.s32 $0xB;
	[sflag:s7] =	ssyncadd.s32 $0xFFFFFC00  }
0x1b: {  	_ =	swait.ge [sflag:s10], $0x400  }
0x1c: {  	[sflag:s10] =	ssyncset.done $0x0  }
0x1d: {  	s11 =	simm.s32 $0xC;
	[sflag:s10] =	ssyncadd.s32 $0xFFFFFC00  }
0x1e: {  	_ =	swait.ge [sflag:s11], $0x400  }
0x1f: {  	s13 =	simm.s32 $0x10;
	[sflag:s11] =	ssyncset.done $0x0  }
0x20: {  	s8 =	simm.s32 $0x2700;
	s9 =	simm.s32 $0x6620;
	[sflag:s11] =	ssyncadd.s32 $0xFFFFFC00  }
0x21: {  	[tilespmem:s9], [sflag:$0x1] =	stream.indirect.gather [hbm4b:s4+s13], $0x8, s8, s13, $0xb8;
	[tilespmem:$0xA6A0] =	vst v63  }
0x22: {  	_ =	swait.ge [sflag:s23], $0x80  }
0x23: {  	[sflag:s23] =	ssyncset.done $0x0  }
0x24: {  	[sflag:s23] =	ssyncadd.s32 $0xFFFFFF80  }
0x25: {  	v5 =	vld.idx.msk [tilespmem:v4+s3+$0x0], $0xffff;
	_ =	sdelay $0x7  }
0x26: {  	s14 =	simm.s32 $0x4E10;
	[tilespmem:v5+s24+$0x0] =	vst.idx.add.f32.msk $0xffff, v3  }
0x27: {  	[spmem:s2] =	stream.indirect.scatter.add.bf16 [tilespmem:s9], [sflag:$0xD], $0x8, s14, s13, $0xb8;
	[tilespmem:$0xA6A0] =	vst v63  }
0x28: {  	_ =	swait.ge [sflag:s16], $0x80  }
0x29: {  	[sflag:s16] =	ssyncset.done $0x0  }
0x2a: {  	s9 =	stileid.u32;
	[sflag:s16] =	ssyncadd.s32 $0xFFFFFF80  }
0x2b: {  	s7 =	sshll.u32 s9, $0x6;
	[bflag:$0x0] =	sbarrier.arrive $0xFFFF  }
0x2c: {  	s10 =	sshrl.u32 s5, $0x3;
	s7 =	sor.u32 $0x1C0D, s7;
	s11 =	rddreg [dreg:$0x9]  }
0x2d: {  	[hbm:s11], [sflag:s7] =	dma.local [spmem:s10], $0x280  }
0x2e: {  	_ =	swait.ge [sflag:s16], $0x280  }
0x2f: {  	[sflag:s16] =	ssyncset.done $0x0  }
0x30: {  	s13 =	rddreg [dreg:$0xa];
	[sflag:s16] =	ssyncadd.s32 $0xFFFFFD80  }
0x31: {  	[hbm4b:s13+s3] =	stream.linear.scatter [tilespmem:s24], [sflag:$0xD], $0x2800, $0x38;
	[tilespmem:$0xA6A0] =	vst v63  }
0x32: {  	_ =	swait.ge [sflag:s16], $0x2800  }
0x33: {  	s12 =	sadd.s32 $0x1, s12;
	s14 =	rddreg [dreg:$0xb]  }
0x34: {  	p0 =	sne.s32 s12, s14  }
.Ltmp1:
0x35: {  	_ = 	snop;
	(pc) =	sbr.rel @!p0 .LBB2_9-.Ltmp1, $3  }
0x36: {  	_ =	sdelay $0x1  }
0x37: {  	[sflag:s16] =	ssyncset.done $0x0  }
0x38: {  	[sflag:s16] =	ssyncadd.s32 $0xFFFFD800  }
.LBB2_1:
0x39: {  	s10 =	simm.s32 $0x0  }
.LBB2_2:
0x3a: {  	p0 =	sne.s32 s10, $0x9FC0  }
.Ltmp2:
0x3b: {  	_ = 	snop;
	(pc) =	sbr.rel @p0 .LBB2_2-.Ltmp2, $3  }
0x3c: {  	_ =	sdelay $0x1  }
0x3d: {  	s13 =	sshra.s32 s10, $0x2  }
0x3e: {  	s10 =	sadd.s32 $0x40, s10;
	[tilespmem:s13+$0x6AA0] =	vst v0  }
0x3f: {  	s10 =	simm.s32 $0x40;
	s13 =	simm.s32 $0x0  }
.LBB2_4:
0x40: {  	p0 =	sne.s32 s10, $0xFC0;
	[tilespmem:s13+$0x66A0] =	vst v2;
	s13 =	smov.u32 s10;
	s10 =	sadd.s32 $0x40, s10  }
.Ltmp3:
0x41: {  	(pc) =	sbr.rel @p0 .LBB2_4-.Ltmp3, $2  }
0x42: {  	_ =	sdelay $0x2  }
0x43: {  	s13 =	sshra.s32 s13, $0x2  }
0x44: {  	[tilespmem:s13+$0x66A0] =	vst v2  }
0x45: {  	[spmem:s5] =	stream.linear.scatter [tilespmem:s15], [sflag:$0xD], $0x400, $0x38;
	[tilespmem:$0xA6A0] =	vst v63  }
0x46: {  	_ =	swait.ge [sflag:s16], $0x400  }
0x47: {  	[sflag:s16] =	ssyncset.done $0x0  }
0x48: {  	s7 =	rddreg [dreg:$0x3];
	[sflag:s16] =	ssyncadd.s32 $0xFFFFFC00  }
0x49: {  	[spmem:s7] =	stream.linear.scatter [tilespmem:s15], [sflag:$0xD], $0x400, $0x38;
	[tilespmem:$0xA6A0] =	vst v63  }
0x4a: {  	_ =	swait.ge [sflag:s16], $0x400  }
0x4b: {  	[sflag:s16] =	ssyncset.done $0x0  }
0x4c: {  	s14 =	rddreg [dreg:$0x4];
	[sflag:s16] =	ssyncadd.s32 $0xFFFFFC00  }
0x4d: {  	[spmem:s14] =	stream.linear.scatter [tilespmem:s15], [sflag:$0xD], $0x400, $0x38;
	[tilespmem:$0xA6A0] =	vst v63  }
0x4e: {  	_ =	swait.ge [sflag:s16], $0x400  }
0x4f: {  	[sflag:s16] =	ssyncset.done $0x0  }
0x50: {  	s8 =	rddreg [dreg:$0x5];
	[sflag:s16] =	ssyncadd.s32 $0xFFFFFC00  }
0x51: {  	[spmem:s8] =	stream.linear.scatter [tilespmem:s15], [sflag:$0xD], $0x400, $0x38;
	[tilespmem:$0xA6A0] =	vst v63  }
0x52: {  	_ =	swait.ge [sflag:s16], $0x400  }
0x53: {  	[sflag:s16] =	ssyncset.done $0x0  }
0x54: {  	s9 =	rddreg [dreg:$0x6];
	[sflag:s16] =	ssyncadd.s32 $0xFFFFFC00  }
0x55: {  	[spmem:s9] =	stream.linear.scatter [tilespmem:s15], [sflag:$0xD], $0x400, $0x38;
	[tilespmem:$0xA6A0] =	vst v63  }
0x56: {  	_ =	swait.ge [sflag:s16], $0x400  }
0x57: {  	[sflag:s16] =	ssyncset.done $0x0  }
0x58: {  	[sflag:s16] =	ssyncadd.s32 $0xFFFFFC00  }
0x59: {  	[bflag:$0x0] =	sbarrier.arrive $0xFFFF  }
0x5a: {  	s13 =	simm.s32 $0x0;
	s10 =	rddreg [dreg:$0x7]  }
0x5b: {  	[tilespmem:s13], [sflag:$0xD] =	stream.linear.gather [hbm4b:s10+s13], $0x2710, $0x38;
	[tilespmem:$0xA6A0] =	vst v63  }
0x5c: {  	_ =	swait.ge [sflag:s16], $0x2710  }
0x5d: {  	[sflag:s16] =	ssyncset.done $0x0  }
0x5e: {  	s8 =	simm.s32 $0x2710;
	s11 =	rddreg [dreg:$0x8];
	[sflag:s16] =	ssyncadd.s32 $0xFFFFD8F0  }
0x5f: {  	[tilespmem:s8], [sflag:$0xD] =	stream.linear.gather [hbm4b:s11+s13], $0x2710, $0x38;
	[tilespmem:$0xA6A0] =	vst v63  }
0x60: {  	_ =	swait.ge [sflag:s16], $0x2710  }
0x61: {  	[sflag:s16] =	ssyncset.done $0x0  }
0x62: {  	[sflag:s16] =	ssyncadd.s32 $0xFFFFD8F0  }
0x63: {  	[tilespmem:s19], [sflag:$0x1] =	stream.indirect.gather [hbm4b:s4+s18], $0x8, s13, s18, $0xb8;
	[tilespmem:$0xA6A0] =	vst v63  }
0x64: {  	_ = 	snop  }
0x65: {  	[tilespmem:s20], [sflag:$0x2] =	stream.indirect.gather [hbm4b:s4+s18], $0x8, s18, s18, $0xb8;
	[tilespmem:$0xA6A0] =	vst v63  }
0x66: {  	s14 =	simm.s32 $0x100  }
0x67: {  	[tilespmem:s22], [sflag:$0x3] =	stream.indirect.gather [hbm4b:s4+s18], $0x8, s14, s18, $0xb8;
	[tilespmem:$0xA6A0] =	vst v63  }
0x68: {  	s14 =	simm.s32 $0x0  }
.LBB2_6:
0x69: {  	v5 =	vor.u32 s13, v1;
	_ =	sdelay $0x1  }
0x6a: {  	_ =	swait.ge [sflag:s23], $0x400  }
0x6b: {  	[sflag:s23] =	ssyncset.done $0x0  }
0x6c: {  	[sflag:s23] =	ssyncadd.s32 $0xFFFFFC00  }
0x6d: {  	v5 =	vld.idx.msk [tilespmem:v5+s3+$0x0], $0xffff;
	_ =	sdelay $0x2  }
0x6e: {  	s10 =	sadd.s32 $0x10, s13  }
0x6f: {  	v6 =	vor.u32 s10, v1;
	_ =	sdelay $0x3  }
0x70: {  	[tilespmem:v5+s24+$0x0] =	vst.idx.add.f32.msk $0xffff, v3  }
0x71: {  	v5 =	vld.idx.msk [tilespmem:v6+s3+$0x0], $0xffff;
	_ =	sdelay $0x2  }
0x72: {  	s7 =	sadd.s32 $0x20, s13  }
0x73: {  	v6 =	vor.u32 s7, v1;
	_ =	sdelay $0x3  }
0x74: {  	[tilespmem:v5+s24+$0x0] =	vst.idx.add.f32.msk $0xffff, v3  }
0x75: {  	v5 =	vld.idx.msk [tilespmem:v6+s3+$0x0], $0xffff;
	_ =	sdelay $0x2  }
0x76: {  	s8 =	sadd.s32 $0x30, s13  }
0x77: {  	v6 =	vor.u32 s8, v1;
	_ =	sdelay $0x3  }
0x78: {  	[tilespmem:v5+s24+$0x0] =	vst.idx.add.f32.msk $0xffff, v3  }
0x79: {  	v5 =	vld.idx.msk [tilespmem:v6+s3+$0x0], $0xffff;
	_ =	sdelay $0x2  }
0x7a: {  	s9 =	sadd.s32 $0x40, s13  }
0x7b: {  	v6 =	vor.u32 s9, v1;
	_ =	sdelay $0x3  }
0x7c: {  	[tilespmem:v5+s24+$0x0] =	vst.idx.add.f32.msk $0xffff, v3  }
0x7d: {  	v5 =	vld.idx.msk [tilespmem:v6+s3+$0x0], $0xffff;
	_ =	sdelay $0x2  }
0x7e: {  	s11 =	sadd.s32 $0x50, s13  }
0x7f: {  	v6 =	vor.u32 s11, v1;
	_ =	sdelay $0x3  }
0x80: {  	[tilespmem:v5+s24+$0x0] =	vst.idx.add.f32.msk $0xffff, v3  }
0x81: {  	v5 =	vld.idx.msk [tilespmem:v6+s3+$0x0], $0xffff;
	_ =	sdelay $0x2  }
0x82: {  	s7 =	sadd.s32 $0x60, s13  }
0x83: {  	v6 =	vor.u32 s7, v1;
	_ =	sdelay $0x3  }
0x84: {  	[tilespmem:v5+s24+$0x0] =	vst.idx.add.f32.msk $0xffff, v3  }
0x85: {  	v5 =	vld.idx.msk [tilespmem:v6+s3+$0x0], $0xffff;
	_ =	sdelay $0x2  }
0x86: {  	s8 =	sadd.s32 $0x70, s13  }
0x87: {  	v6 =	vor.u32 s8, v1;
	_ =	sdelay $0x3  }
0x88: {  	[tilespmem:v5+s24+$0x0] =	vst.idx.add.f32.msk $0xffff, v3  }
0x89: {  	v5 =	vld.idx.msk [tilespmem:v6+s3+$0x0], $0xffff;
	_ =	sdelay $0x6  }
0x8a: {  	s10 =	sshra.s32 s14, $0x2  }
0x8b: {  	p0 =	seq.s32 s13, $0x0;
	s11 =	sadd.s32 $0x2710, s10;
	[tilespmem:v5+s24+$0x0] =	vst.idx.add.f32.msk $0xffff, v3  }
0x8c: {  	[spmem:s2] =	stream.indirect.scatter.add.bf16 [tilespmem:s19], [sflag:$0x7], $0x8, s11, s18, $0xb8;
	[tilespmem:$0xA6A0] =	vst v63  }
0x8d: {  	s11 =	simm.s32 @!p0 $0xA  }
0x8e: {  	_ =	swait.ge @!p0 [sflag:s11], $0x400  }
0x8f: {  	s7 =	sadd.s32 $0x80, s13;
	[sflag:s11] =	ssyncset.done @!p0 $0x0  }
0x90: {  	s9 =	sadd.s32 $0x180, s10;
	v5 =	vor.u32 s7, v1;
	[sflag:s11] =	ssyncadd.s32 @!p0 $0xFFFFFC00  }
0x91: {  	[tilespmem:s25], [sflag:$0x4] =	stream.indirect.gather [hbm4b:s4+s18], $0x8, s9, s18, $0xb8;
	[tilespmem:$0xA6A0] =	vst v63  }
0x92: {  	_ =	swait.ge [sflag:s26], $0x400  }
0x93: {  	[sflag:s26] =	ssyncset.done $0x0  }
0x94: {  	[sflag:s26] =	ssyncadd.s32 $0xFFFFFC00  }
0x95: {  	v5 =	vld.idx.msk [tilespmem:v5+s3+$0x0], $0xffff;
	_ =	sdelay $0x2  }
0x96: {  	s11 =	sadd.s32 $0x90, s13  }
0x97: {  	v6 =	vor.u32 s11, v1;
	_ =	sdelay $0x3  }
0x98: {  	[tilespmem:v5+s24+$0x0] =	vst.idx.add.f32.msk $0xffff, v3  }
0x99: {  	v5 =	vld.idx.msk [tilespmem:v6+s3+$0x0], $0xffff;
	_ =	sdelay $0x2  }
0x9a: {  	s8 =	sadd.s32 $0xA0, s13  }
0x9b: {  	v6 =	vor.u32 s8, v1;
	_ =	sdelay $0x3  }
0x9c: {  	[tilespmem:v5+s24+$0x0] =	vst.idx.add.f32.msk $0xffff, v3  }
0x9d: {  	v5 =	vld.idx.msk [tilespmem:v6+s3+$0x0], $0xffff;
	_ =	sdelay $0x2  }
0x9e: {  	s9 =	sadd.s32 $0xB0, s13  }
0x9f: {  	v6 =	vor.u32 s9, v1;
	_ =	sdelay $0x3  }
0xa0: {  	[tilespmem:v5+s24+$0x0] =	vst.idx.add.f32.msk $0xffff, v3  }
0xa1: {  	v5 =	vld.idx.msk [tilespmem:v6+s3+$0x0], $0xffff;
	_ =	sdelay $0x2  }
0xa2: {  	s11 =	sadd.s32 $0xC0, s13  }
0xa3: {  	v6 =	vor.u32 s11, v1;
	_ =	sdelay $0x3  }
0xa4: {  	[tilespmem:v5+s24+$0x0] =	vst.idx.add.f32.msk $0xffff, v3  }
0xa5: {  	v5 =	vld.idx.msk [tilespmem:v6+s3+$0x0], $0xffff;
	_ =	sdelay $0x2  }
0xa6: {  	s8 =	sadd.s32 $0xD0, s13  }
0xa7: {  	v6 =	vor.u32 s8, v1;
	_ =	sdelay $0x3  }
0xa8: {  	[tilespmem:v5+s24+$0x0] =	vst.idx.add.f32.msk $0xffff, v3  }
0xa9: {  	v5 =	vld.idx.msk [tilespmem:v6+s3+$0x0], $0xffff;
	_ =	sdelay $0x2  }
0xaa: {  	s9 =	sadd.s32 $0xE0, s13  }
0xab: {  	v6 =	vor.u32 s9, v1;
	_ =	sdelay $0x3  }
0xac: {  	[tilespmem:v5+s24+$0x0] =	vst.idx.add.f32.msk $0xffff, v3  }
0xad: {  	v5 =	vld.idx.msk [tilespmem:v6+s3+$0x0], $0xffff;
	_ =	sdelay $0x2  }
0xae: {  	s11 =	sadd.s32 $0xF0, s13  }
0xaf: {  	v6 =	vor.u32 s11, v1;
	_ =	sdelay $0x3  }
0xb0: {  	[tilespmem:v5+s24+$0x0] =	vst.idx.add.f32.msk $0xffff, v3  }
0xb1: {  	v5 =	vld.idx.msk [tilespmem:v6+s3+$0x0], $0xffff;
	_ =	sdelay $0x7  }
0xb2: {  	s7 =	simm.s32 @!p0 $0xB;
	s8 =	sadd.s32 $0x2790, s10;
	[tilespmem:v5+s24+$0x0] =	vst.idx.add.f32.msk $0xffff, v3  }
0xb3: {  	[spmem:s2] =	stream.indirect.scatter.add.bf16 [tilespmem:s20], [sflag:$0x8], $0x8, s8, s18, $0xb8;
	[tilespmem:$0xA6A0] =	vst v63  }
0xb4: {  	_ =	swait.ge @!p0 [sflag:s7], $0x400  }
0xb5: {  	s9 =	sadd.s32 $0x100, s13;
	[sflag:s7] =	ssyncset.done @!p0 $0x0  }
0xb6: {  	v5 =	vor.u32 s9, v1;
	s8 =	sadd.s32 $0x200, s10;
	[sflag:s7] =	ssyncadd.s32 @!p0 $0xFFFFFC00  }
0xb7: {  	[tilespmem:s28], [sflag:$0x5] =	stream.indirect.gather [hbm4b:s4+s18], $0x8, s8, s18, $0xb8;
	[tilespmem:$0xA6A0] =	vst v63  }
0xb8: {  	_ =	swait.ge [sflag:s29], $0x400  }
0xb9: {  	[sflag:s29] =	ssyncset.done $0x0  }
0xba: {  	[sflag:s29] =	ssyncadd.s32 $0xFFFFFC00  }
0xbb: {  	v5 =	vld.idx.msk [tilespmem:v5+s3+$0x0], $0xffff;
	_ =	sdelay $0x2  }
0xbc: {  	s9 =	sadd.s32 $0x110, s13  }
0xbd: {  	v6 =	vor.u32 s9, v1;
	_ =	sdelay $0x3  }
0xbe: {  	[tilespmem:v5+s24+$0x0] =	vst.idx.add.f32.msk $0xffff, v3  }
0xbf: {  	v5 =	vld.idx.msk [tilespmem:v6+s3+$0x0], $0xffff;
	_ =	sdelay $0x2  }
0xc0: {  	s11 =	sadd.s32 $0x120, s13  }
0xc1: {  	v6 =	vor.u32 s11, v1;
	_ =	sdelay $0x3  }
0xc2: {  	[tilespmem:v5+s24+$0x0] =	vst.idx.add.f32.msk $0xffff, v3  }
0xc3: {  	v5 =	vld.idx.msk [tilespmem:v6+s3+$0x0], $0xffff;
	_ =	sdelay $0x2  }
0xc4: {  	s8 =	sadd.s32 $0x130, s13  }
0xc5: {  	v6 =	vor.u32 s8, v1;
	_ =	sdelay $0x3  }
0xc6: {  	[tilespmem:v5+s24+$0x0] =	vst.idx.add.f32.msk $0xffff, v3  }
0xc7: {  	v5 =	vld.idx.msk [tilespmem:v6+s3+$0x0], $0xffff;
	_ =	sdelay $0x2  }
0xc8: {  	s9 =	sadd.s32 $0x140, s13  }
0xc9: {  	v6 =	vor.u32 s9, v1;
	_ =	sdelay $0x3  }
0xca: {  	[tilespmem:v5+s24+$0x0] =	vst.idx.add.f32.msk $0xffff, v3  }
0xcb: {  	v5 =	vld.idx.msk [tilespmem:v6+s3+$0x0], $0xffff;
	_ =	sdelay $0x2  }
0xcc: {  	s11 =	sadd.s32 $0x150, s13  }
0xcd: {  	v6 =	vor.u32 s11, v1;
	_ =	sdelay $0x3  }
0xce: {  	[tilespmem:v5+s24+$0x0] =	vst.idx.add.f32.msk $0xffff, v3  }
0xcf: {  	v5 =	vld.idx.msk [tilespmem:v6+s3+$0x0], $0xffff;
	_ =	sdelay $0x2  }
0xd0: {  	s8 =	sadd.s32 $0x160, s13  }
0xd1: {  	v6 =	vor.u32 s8, v1;
	_ =	sdelay $0x3  }
0xd2: {  	[tilespmem:v5+s24+$0x0] =	vst.idx.add.f32.msk $0xffff, v3  }
0xd3: {  	v5 =	vld.idx.msk [tilespmem:v6+s3+$0x0], $0xffff;
	_ =	sdelay $0x2  }
0xd4: {  	s9 =	sadd.s32 $0x170, s13  }
0xd5: {  	v6 =	vor.u32 s9, v1;
	_ =	sdelay $0x3  }
0xd6: {  	[tilespmem:v5+s24+$0x0] =	vst.idx.add.f32.msk $0xffff, v3  }
0xd7: {  	v5 =	vld.idx.msk [tilespmem:v6+s3+$0x0], $0xffff;
	_ =	sdelay $0x7  }
0xd8: {  	s7 =	simm.s32 @!p0 $0xC;
	s11 =	sadd.s32 $0x2810, s10;
	[tilespmem:v5+s24+$0x0] =	vst.idx.add.f32.msk $0xffff, v3  }
0xd9: {  	[spmem:s2] =	stream.indirect.scatter.add.bf16 [tilespmem:s22], [sflag:$0x9], $0x8, s11, s18, $0xb8;
	[tilespmem:$0xA6A0] =	vst v63  }
0xda: {  	_ =	swait.ge @!p0 [sflag:s7], $0x400  }
0xdb: {  	s8 =	sadd.s32 $0x180, s13;
	[sflag:s7] =	ssyncset.done @!p0 $0x0  }
0xdc: {  	s9 =	sadd.s32 $0x280, s10;
	v5 =	vor.u32 s8, v1;
	[sflag:s7] =	ssyncadd.s32 @!p0 $0xFFFFFC00  }
0xdd: {  	[tilespmem:s30], [sflag:$0x6] =	stream.indirect.gather [hbm4b:s4+s18], $0x8, s9, s18, $0xb8;
	[tilespmem:$0xA6A0] =	vst v63  }
0xde: {  	_ =	swait.ge [sflag:s31], $0x400  }
0xdf: {  	[sflag:s31] =	ssyncset.done $0x0  }
0xe0: {  	[sflag:s31] =	ssyncadd.s32 $0xFFFFFC00  }
0xe1: {  	v5 =	vld.idx.msk [tilespmem:v5+s3+$0x0], $0xffff;
	_ =	sdelay $0x2  }
0xe2: {  	s8 =	sadd.s32 $0x190, s13  }
0xe3: {  	v6 =	vor.u32 s8, v1;
	_ =	sdelay $0x3  }
0xe4: {  	[tilespmem:v5+s24+$0x0] =	vst.idx.add.f32.msk $0xffff, v3  }
0xe5: {  	v5 =	vld.idx.msk [tilespmem:v6+s3+$0x0], $0xffff;
	_ =	sdelay $0x2  }
0xe6: {  	s9 =	sadd.s32 $0x1A0, s13  }
0xe7: {  	v6 =	vor.u32 s9, v1;
	_ =	sdelay $0x3  }
0xe8: {  	[tilespmem:v5+s24+$0x0] =	vst.idx.add.f32.msk $0xffff, v3  }
0xe9: {  	v5 =	vld.idx.msk [tilespmem:v6+s3+$0x0], $0xffff;
	_ =	sdelay $0x2  }
0xea: {  	s11 =	sadd.s32 $0x1B0, s13  }
0xeb: {  	v6 =	vor.u32 s11, v1;
	_ =	sdelay $0x3  }
0xec: {  	[tilespmem:v5+s24+$0x0] =	vst.idx.add.f32.msk $0xffff, v3  }
0xed: {  	v5 =	vld.idx.msk [tilespmem:v6+s3+$0x0], $0xffff;
	_ =	sdelay $0x2  }
0xee: {  	s8 =	sadd.s32 $0x1C0, s13  }
0xef: {  	v6 =	vor.u32 s8, v1;
	_ =	sdelay $0x3  }
0xf0: {  	[tilespmem:v5+s24+$0x0] =	vst.idx.add.f32.msk $0xffff, v3  }
0xf1: {  	v5 =	vld.idx.msk [tilespmem:v6+s3+$0x0], $0xffff;
	_ =	sdelay $0x2  }
0xf2: {  	s9 =	sadd.s32 $0x1D0, s13  }
0xf3: {  	v6 =	vor.u32 s9, v1;
	_ =	sdelay $0x3  }
0xf4: {  	[tilespmem:v5+s24+$0x0] =	vst.idx.add.f32.msk $0xffff, v3  }
0xf5: {  	v5 =	vld.idx.msk [tilespmem:v6+s3+$0x0], $0xffff;
	_ =	sdelay $0x2  }
0xf6: {  	s11 =	sadd.s32 $0x1E0, s13  }
0xf7: {  	v6 =	vor.u32 s11, v1;
	_ =	sdelay $0x3  }
0xf8: {  	[tilespmem:v5+s24+$0x0] =	vst.idx.add.f32.msk $0xffff, v3  }
0xf9: {  	v5 =	vld.idx.msk [tilespmem:v6+s3+$0x0], $0xffff;
	_ =	sdelay $0x2  }
0xfa: {  	s8 =	sadd.s32 $0x1F0, s13  }
0xfb: {  	v6 =	vor.u32 s8, v1;
	_ =	sdelay $0x3  }
0xfc: {  	[tilespmem:v5+s24+$0x0] =	vst.idx.add.f32.msk $0xffff, v3  }
0xfd: {  	v5 =	vld.idx.msk [tilespmem:v6+s3+$0x0], $0xffff;
	_ =	sdelay $0x7  }
0xfe: {  	p0 =	seq.s32 s13, $0x2400;
	s9 =	sadd.s32 $0x2890, s10;
	[tilespmem:v5+s24+$0x0] =	vst.idx.add.f32.msk $0xffff, v3  }
0xff: {  	[spmem:s2] =	stream.indirect.scatter.add.bf16 [tilespmem:s25], [sflag:$0xA], $0x8, s9, s18, $0xb8;
	[tilespmem:$0xA6A0] =	vst v63  }
0x100: {  	s7 =	sshra.s32 @!p0 s14, $0x2;
	_ =	swait.ge [sflag:s1], $0x400  }
0x101: {  	s11 =	sadd.s32 $0x200, s13;
	s8 =	sadd.s32 @!p0 $0x300, s7;
	[sflag:s1] =	ssyncset.done $0x0  }
0x102: {  	v5 =	vor.u32 s11, v1;
	s11 =	simm.s32 @!p0 $0x4E20;
	s9 =	simm.s32 @!p0 $0x80;
	[sflag:s1] =	ssyncadd.s32 $0xFFFFFC00  }
0x103: {  	[tilespmem:s11], [sflag:$0x1] =	stream.indirect.gather @!p0 [hbm4b:s4+s9], $0x8, s8, s9, $0xb8;
	[tilespmem:$0xA6A0] =	vst v63  }
0x104: {  	_ =	swait.ge [sflag:s17], $0x400  }
0x105: {  	[sflag:s17] =	ssyncset.done $0x0  }
0x106: {  	[sflag:s17] =	ssyncadd.s32 $0xFFFFFC00  }
0x107: {  	v5 =	vld.idx.msk [tilespmem:v5+s3+$0x0], $0xffff;
	_ =	sdelay $0x2  }
0x108: {  	s11 =	sadd.s32 $0x210, s13  }
0x109: {  	v6 =	vor.u32 s11, v1;
	_ =	sdelay $0x3  }
0x10a: {  	[tilespmem:v5+s24+$0x0] =	vst.idx.add.f32.msk $0xffff, v3  }
0x10b: {  	v5 =	vld.idx.msk [tilespmem:v6+s3+$0x0], $0xffff;
	_ =	sdelay $0x2  }
0x10c: {  	s11 =	sadd.s32 $0x220, s13  }
0x10d: {  	v6 =	vor.u32 s11, v1;
	_ =	sdelay $0x3  }
0x10e: {  	[tilespmem:v5+s24+$0x0] =	vst.idx.add.f32.msk $0xffff, v3  }
0x10f: {  	v5 =	vld.idx.msk [tilespmem:v6+s3+$0x0], $0xffff;
	_ =	sdelay $0x2  }
0x110: {  	s11 =	sadd.s32 $0x230, s13  }
0x111: {  	v6 =	vor.u32 s11, v1;
	_ =	sdelay $0x3  }
0x112: {  	[tilespmem:v5+s24+$0x0] =	vst.idx.add.f32.msk $0xffff, v3  }
0x113: {  	v5 =	vld.idx.msk [tilespmem:v6+s3+$0x0], $0xffff;
	_ =	sdelay $0x2  }
0x114: {  	s11 =	sadd.s32 $0x240, s13  }
0x115: {  	v6 =	vor.u32 s11, v1;
	_ =	sdelay $0x3  }
0x116: {  	[tilespmem:v5+s24+$0x0] =	vst.idx.add.f32.msk $0xffff, v3  }
0x117: {  	v5 =	vld.idx.msk [tilespmem:v6+s3+$0x0], $0xffff;
	_ =	sdelay $0x2  }
0x118: {  	s11 =	sadd.s32 $0x250, s13  }
0x119: {  	v6 =	vor.u32 s11, v1;
	_ =	sdelay $0x3  }
0x11a: {  	[tilespmem:v5+s24+$0x0] =	vst.idx.add.f32.msk $0xffff, v3  }
0x11b: {  	v5 =	vld.idx.msk [tilespmem:v6+s3+$0x0], $0xffff;
	_ =	sdelay $0x2  }
0x11c: {  	s11 =	sadd.s32 $0x260, s13  }
0x11d: {  	v6 =	vor.u32 s11, v1;
	_ =	sdelay $0x3  }
0x11e: {  	[tilespmem:v5+s24+$0x0] =	vst.idx.add.f32.msk $0xffff, v3  }
0x11f: {  	v5 =	vld.idx.msk [tilespmem:v6+s3+$0x0], $0xffff;
	_ =	sdelay $0x2  }
0x120: {  	s11 =	sadd.s32 $0x270, s13  }
0x121: {  	v6 =	vor.u32 s11, v1;
	_ =	sdelay $0x3  }
0x122: {  	[tilespmem:v5+s24+$0x0] =	vst.idx.add.f32.msk $0xffff, v3  }
0x123: {  	v5 =	vld.idx.msk [tilespmem:v6+s3+$0x0], $0xffff;
	_ =	sdelay $0x7  }
0x124: {  	s11 =	sadd.s32 $0x2910, s10;
	[tilespmem:v5+s24+$0x0] =	vst.idx.add.f32.msk $0xffff, v3  }
0x125: {  	[spmem:s2] =	stream.indirect.scatter.add.bf16 [tilespmem:s28], [sflag:$0xB], $0x8, s11, s18, $0xb8;
	[tilespmem:$0xA6A0] =	vst v63  }
0x126: {  	_ =	swait.ge [sflag:s21], $0x400  }
0x127: {  	s11 =	sadd.s32 $0x280, s13;
	[sflag:s21] =	ssyncset.done $0x0  }
0x128: {  	s7 =	sadd.s32 @!p0 $0x380, s7;
	s8 =	simm.s32 @!p0 $0x5220;
	v5 =	vor.u32 s11, v1;
	[sflag:s21] =	ssyncadd.s32 $0xFFFFFC00  }
0x129: {  	[tilespmem:s8], [sflag:$0x2] =	stream.indirect.gather @!p0 [hbm4b:s4+s9], $0x8, s7, s9, $0xb8;
	[tilespmem:$0xA6A0] =	vst v63  }
0x12a: {  	_ =	swait.ge [sflag:s0], $0x400  }
0x12b: {  	[sflag:s0] =	ssyncset.done $0x0  }
0x12c: {  	[sflag:s0] =	ssyncadd.s32 $0xFFFFFC00  }
0x12d: {  	v5 =	vld.idx.msk [tilespmem:v5+s3+$0x0], $0xffff;
	_ =	sdelay $0x2  }
0x12e: {  	s9 =	sadd.s32 $0x290, s13  }
0x12f: {  	v6 =	vor.u32 s9, v1;
	_ =	sdelay $0x3  }
0x130: {  	[tilespmem:v5+s24+$0x0] =	vst.idx.add.f32.msk $0xffff, v3  }
0x131: {  	v5 =	vld.idx.msk [tilespmem:v6+s3+$0x0], $0xffff;
	_ =	sdelay $0x2  }
0x132: {  	s11 =	sadd.s32 $0x2A0, s13  }
0x133: {  	v6 =	vor.u32 s11, v1;
	_ =	sdelay $0x3  }
0x134: {  	[tilespmem:v5+s24+$0x0] =	vst.idx.add.f32.msk $0xffff, v3  }
0x135: {  	v5 =	vld.idx.msk [tilespmem:v6+s3+$0x0], $0xffff;
	_ =	sdelay $0x2  }
0x136: {  	s8 =	sadd.s32 $0x2B0, s13  }
0x137: {  	v6 =	vor.u32 s8, v1;
	_ =	sdelay $0x3  }
0x138: {  	[tilespmem:v5+s24+$0x0] =	vst.idx.add.f32.msk $0xffff, v3  }
0x139: {  	v5 =	vld.idx.msk [tilespmem:v6+s3+$0x0], $0xffff;
	_ =	sdelay $0x2  }
0x13a: {  	s9 =	sadd.s32 $0x2C0, s13  }
0x13b: {  	v6 =	vor.u32 s9, v1;
	_ =	sdelay $0x3  }
0x13c: {  	[tilespmem:v5+s24+$0x0] =	vst.idx.add.f32.msk $0xffff, v3  }
0x13d: {  	v5 =	vld.idx.msk [tilespmem:v6+s3+$0x0], $0xffff;
	_ =	sdelay $0x2  }
0x13e: {  	s11 =	sadd.s32 $0x2D0, s13  }
0x13f: {  	v6 =	vor.u32 s11, v1;
	_ =	sdelay $0x3  }
0x140: {  	[tilespmem:v5+s24+$0x0] =	vst.idx.add.f32.msk $0xffff, v3  }
0x141: {  	v5 =	vld.idx.msk [tilespmem:v6+s3+$0x0], $0xffff;
	_ =	sdelay $0x2  }
0x142: {  	s8 =	sadd.s32 $0x2E0, s13  }
0x143: {  	v6 =	vor.u32 s8, v1;
	_ =	sdelay $0x3  }
0x144: {  	[tilespmem:v5+s24+$0x0] =	vst.idx.add.f32.msk $0xffff, v3  }
0x145: {  	v5 =	vld.idx.msk [tilespmem:v6+s3+$0x0], $0xffff;
	_ =	sdelay $0x2  }
0x146: {  	s9 =	sadd.s32 $0x2F0, s13  }
0x147: {  	v6 =	vor.u32 s9, v1;
	_ =	sdelay $0x3  }
0x148: {  	[tilespmem:v5+s24+$0x0] =	vst.idx.add.f32.msk $0xffff, v3  }
0x149: {  	v5 =	vld.idx.msk [tilespmem:v6+s3+$0x0], $0xffff;
	_ =	sdelay $0x7  }
.Ltmp4:
0x14a: {  	s11 =	sadd.s32 $0x2990, s10;
	[tilespmem:v5+s24+$0x0] =	vst.idx.add.f32.msk $0xffff, v3;
	(pc) =	sbr.rel @p0 .LBB2_8-.Ltmp4, $4  }
0x14b: {  	[spmem:s2] =	stream.indirect.scatter.add.bf16 [tilespmem:s30], [sflag:$0xC], $0x8, s11, s18, $0xb8;
	[tilespmem:$0xA6A0] =	vst v63  }
0x14c: {  	_ =	swait.ge [sflag:s6], $0x400  }
0x14d: {  	[sflag:s6] =	ssyncset.done $0x0  }
0x14e: {  	[sflag:s6] =	ssyncadd.s32 $0xFFFFFC00  }
.Ltmp5:
0x14f: {  	(pc) =	sbr.rel .LBB2_6-.Ltmp5, $3  }
0x150: {  	_ =	sdelay $0x1  }
0x151: {  	s7 =	sadd.s32 $0x400, s10;
	s14 =	sadd.s32 $0xC00, s14;
	s13 =	sadd.s32 $0x300, s13  }
0x152: {  	[tilespmem:s22], [sflag:$0x3] =	stream.indirect.gather [hbm4b:s4+s18], $0x8, s7, s18, $0xb8;
	[tilespmem:$0xA6A0] =	vst v63  }
.LBB2_9:
0x153: {  	_ =	sfence.sel $0x180000  }
0x154: {  	[bflag:$0x0] =	sbarrier.arrive $0xFFFF  }
0x155: {  	_ =	strace $0x90000047  }
0x156: {  	s0 =	stileid.u32;
	[bflag:$0x2] =	sbarrier.arrive $0xFFFF  }
0x157: {  	p0 =	sne.s32 s0, $0x0;
	s0 =	rddreg [dreg:$0x2]  }
0x158: {  	s0 =	sadd.s32 @!p0 $0x100000, s0  }
0x159: {  	[sflag:s0] =	ssyncadd.tile.s32 @!p0 $0x1;
	_ =	shalt  }
.Lfunc_end2:
_tile_overlayer_lowered:
.L_overlay_start_2:
0x15a: {  	(tag) =	ssettag $0x2  }
0x15b: {  	s0 =	rddreg [dreg:$0x0];
	s2 =	stileid.u32  }
0x15c: {  	s1 =	rddreg [dreg:$0x1];
	p0 =	sne.s32 s2, $0x0  }
0x15d: {  	s3 =	rddreg [dreg:$0x2];
	[bflag:$0x3] =	sbarrier.arrive $0xFFFF;
	s2 =	simm.s32 @!p0 $0x1C0D  }
0x15e: {  	[timem:s3], [sflag:s2] =	dma.local @!p0 [hbm:s0], s1  }
0x15f: {  	s0 =	simm.s32 @!p0 $0xD  }
0x160: {  	_ =	swait.ge @!p0 [sflag:s0], s1  }
0x161: {  	s1 =	ssub.s32 @!p0 $0x0, s1;
	[sflag:s0] =	ssyncset.done @!p0 $0x0  }
0x162: {  	[sflag:s0] =	ssyncadd.s32 @!p0 s1  }
0x163: {  	[bflag:$0x3] =	sbarrier.arrive $0xFFFF  }
0x164: {  	_ =	shalt  }

</sc_bundles>
